<compile_context>
chip_gen: v7x
topology: tpu7x:2x2x1
jax: 0.10.2.dev20260603
libtpu: 0.0.44.dev20260713+nightly
codegen_flags: <defaults>
</compile_context>

<pallas_src>
import functools

import jax
import jax.numpy as jnp
from jax import lax
from jax.experimental import pallas as pl
from jax.experimental.pallas import tpu as pltpu, tpu_sc as plsc


@functools.lru_cache(maxsize=None)
def _build_router(batch: int, n_classes: int, n_paths: int):
    info = plsc.get_sparse_core_info()
    nc, ns, lanes = info.num_cores, info.num_subcores, info.num_lanes
    nw = nc * ns
    assert lanes == 16
    assert batch % (nw * lanes) == 0
    b_per_w = batch // nw
    out_per_w = b_per_w * n_paths
    n_iter = b_per_w // lanes

    mesh = plsc.VectorSubcoreMesh(
        core_axis_name="c", subcore_axis_name="s", num_cores=nc
    )

    @functools.partial(
        pl.kernel,
        mesh=mesh,
        out_type=jax.ShapeDtypeStruct((batch * n_paths,), jnp.float32),
        compiler_params=pltpu.CompilerParams(needs_layout_passes=False),
        scratch_types=[
            pltpu.VMEM((b_per_w,), jnp.int32),
            pltpu.VMEM((n_classes * n_paths,), jnp.float32),
            pltpu.VMEM((out_per_w,), jnp.float32),
            pltpu.SemaphoreType.DMA,
            pltpu.SemaphoreType.DMA,
            pltpu.SemaphoreType.DMA,
        ],
    )
    def router(labels_hbm, rm_hbm, out_hbm, lbl_v, rm_v, out_v, sem_l, sem_r, sem_o):
        wid = lax.axis_index("s") * nc + lax.axis_index("c")
        base = wid * b_per_w
        half = b_per_w // 2
        half_iters = n_iter // 2
        half_out = out_per_w // 2

        h_l0 = pltpu.async_copy(labels_hbm.at[pl.ds(base, half)], lbl_v.at[pl.ds(0, half)], sem_l)
        h_r = pltpu.async_copy(rm_hbm, rm_v, sem_r)
        h_l1 = pltpu.async_copy(
            labels_hbm.at[pl.ds(base + half, half)], lbl_v.at[pl.ds(half, half)], sem_l
        )
        h_l0.wait()
        h_r.wait()

        pos = lax.iota(jnp.int32, 16)
        npv = jnp.full((16,), n_paths, dtype=jnp.int32)
        pos_np = pos * npv
        rvs = [jnp.full((16,), r, dtype=jnp.int32) for r in range(n_paths)]

        def do_group(i):
            lbl16 = lbl_v[pl.ds(i * lanes, lanes)]
            row_base = lbl16 * npv
            obase = jnp.full((16,), i * lanes * n_paths, dtype=jnp.int32)
            out_pos = obase + pos_np
            for r in range(n_paths):
                vals = plsc.load_gather(rm_v, [row_base + rvs[r]])
                plsc.store_scatter(out_v, [out_pos + rvs[r]], vals)

        for i in range(half_iters):
            do_group(i)
        h_o0 = pltpu.async_copy(
            out_v.at[pl.ds(0, half_out)],
            out_hbm.at[pl.ds(base * n_paths, half_out)],
            sem_o,
        )
        h_l1.wait()
        for i in range(half_iters, n_iter):
            do_group(i)
        h_o1 = pltpu.async_copy(
            out_v.at[pl.ds(half_out, half_out)],
            out_hbm.at[pl.ds(base * n_paths + half_out, half_out)],
            sem_o,
        )
        h_o0.wait()
        h_o1.wait()

    return router


def kernel(layer_input, labels, route_matrix, temperature, balance_coefficient):
    batch = labels.shape[0]
    n_classes, n_paths = route_matrix.shape
    router = _build_router(batch, n_classes, n_paths)
    out_flat = router(labels, route_matrix.reshape(-1))
    p_n_given_x = out_flat.reshape(batch, n_paths)
    return (p_n_given_x, p_n_given_x)

# --- scband reference (transcript-rebuilt; emitter-appended) ---
"""Pipeline reference for scband-ideal-routing-layer-51642686767570 (READ-ONLY COPY).

The authoritative reference and input builder live on the scoring server;
editing this copy changes nothing except your own understanding.
"""

import jax, jax.numpy as jnp
import numpy as np

CLASS_COUNT = 100
PATH_COUNT = 4
IDEAL_ROUTES = [list(range(25 * p, 25 * (p + 1))) for p in range(PATH_COUNT)]
BATCH = 16384
D_IN = 256


def _make_route_matrix():
    rm = np.zeros((CLASS_COUNT, PATH_COUNT), dtype=np.float32)
    for p_id, route_tpl in enumerate(IDEAL_ROUTES):
        for lbl in route_tpl:
            rm[lbl, p_id] = 1.0
    return jnp.asarray(rm)


def setup_inputs(seed: int = 0) -> dict:
    key = jax.random.key(seed)
    k1, k2 = jax.random.split(key)
    layer_input = jax.random.normal(k1, (BATCH, D_IN), dtype=jnp.float32)
    labels = jax.random.randint(k2, (BATCH,), 0, CLASS_COUNT, dtype=jnp.int32)
    route_matrix = _make_route_matrix()
    return {
        "layer_input": layer_input,
        "labels": labels,
        "route_matrix": route_matrix,
        "temperature": 1,
        "balance_coefficient": 1,
    }


def reference(layer_input, labels, route_matrix, temperature, balance_coefficient):
    # Eval-mode forward (deterministic path; the training branch injects torch-RNG
    # label-routing noise and is not reproducible cross-framework).
    label_one_hot_matrix = jax.nn.one_hot(labels, CLASS_COUNT, dtype=route_matrix.dtype)
    p_n_given_x = jnp.matmul(label_one_hot_matrix, route_matrix)
    return (p_n_given_x, p_n_given_x)

if __name__ == "__main__":
    import jax
    _d = setup_inputs()
    print(jax.jit(kernel)(*tuple(_d.values())))

</pallas_src>

<mosaic_0001>
#map = affine_map<(d0, d1) -> (0)>
module attributes {stable_mosaic.version = 14 : i64} {
  func.func @router(%arg0: i32, %arg1: i32, %arg2: memref<16384xi32, #tpu.memory_space<hbm>>, %arg3: memref<400xf32, #tpu.memory_space<hbm>>, %arg4: memref<65536xf32, #tpu.memory_space<hbm>>, %arg5: memref<512xi32, #tpu.memory_space<vmem>>, %arg6: memref<400xf32, #tpu.memory_space<vmem>>, %arg7: memref<2048xf32, #tpu.memory_space<vmem>>, %arg8: memref<!tpu.dma_semaphore, #tpu.memory_space<semaphore_mem>>, %arg9: memref<!tpu.dma_semaphore, #tpu.memory_space<semaphore_mem>>, %arg10: memref<!tpu.dma_semaphore, #tpu.memory_space<semaphore_mem>>) attributes {dimension_semantics = [#tpu.dimension_semantics<core_parallel>, #tpu.dimension_semantics<subcore_parallel>], iteration_bounds = array<i64: 2, 16>, scalar_prefetch = 0 : i64, scratch_operands = 6 : i64, tpu.core_type = #tpu.core_type<sc_vector_subcore>, window_params = [{transform_indices = #map}, {transform_indices = #map}, {transform_indices = #map}]} {
    %mul3A = arith.constant 2 : i32
    %mul3A_0 = arith.muli %arg1, %mul3A : i32
    %add3A = arith.addi %mul3A_0, %arg0 : i32
    %mul3A_1 = arith.constant 512 : i32
    %mul3A_2 = arith.muli %add3A, %mul3A_1 : i32
    %dma_start3A = arith.constant 0 : i32
    %dma_start3A_3 = tpu.memref_slice %arg5[%dma_start3A] : memref<512xi32, #tpu.memory_space<vmem>> -> memref<256xi32, #tpu.memory_space<vmem>>
    %dma_start3A_4 = tpu.memref_slice %arg2[%mul3A_2] : memref<16384xi32, #tpu.memory_space<hbm>> -> memref<256xi32, #tpu.memory_space<hbm>>
    %dma_start3A_5 = arith.constant 0 : i32
    %dma_start3A_6 = tpu.memref_slice %arg5[%dma_start3A_5] : memref<512xi32, #tpu.memory_space<vmem>> -> memref<256xi32, #tpu.memory_space<vmem>>
    %dma_start3A_7 = tpu.memref_slice %arg2[%mul3A_2] : memref<16384xi32, #tpu.memory_space<hbm>> -> memref<256xi32, #tpu.memory_space<hbm>>
    tpu.enqueue_dma source(%dma_start3A_7 : memref<256xi32, #tpu.memory_space<hbm>>) target(%dma_start3A_6 : memref<256xi32, #tpu.memory_space<vmem>>) target_semaphore(%arg8 : memref<!tpu.dma_semaphore, #tpu.memory_space<semaphore_mem>>)
    tpu.enqueue_dma source(%arg3 : memref<400xf32, #tpu.memory_space<hbm>>) target(%arg6 : memref<400xf32, #tpu.memory_space<vmem>>) target_semaphore(%arg9 : memref<!tpu.dma_semaphore, #tpu.memory_space<semaphore_mem>>)
    %add3A_8 = arith.constant 256 : i32
    %add3A_9 = arith.addi %mul3A_2, %add3A_8 : i32
    %dma_start3A_10 = arith.constant 256 : i32
    %dma_start3A_11 = tpu.memref_slice %arg5[%dma_start3A_10] : memref<512xi32, #tpu.memory_space<vmem>> -> memref<256xi32, #tpu.memory_space<vmem>>
    %dma_start3A_12 = tpu.memref_slice %arg2[%add3A_9] : memref<16384xi32, #tpu.memory_space<hbm>> -> memref<256xi32, #tpu.memory_space<hbm>>
    %dma_start3A_13 = arith.constant 256 : i32
    %dma_start3A_14 = tpu.memref_slice %arg5[%dma_start3A_13] : memref<512xi32, #tpu.memory_space<vmem>> -> memref<256xi32, #tpu.memory_space<vmem>>
    %dma_start3A_15 = tpu.memref_slice %arg2[%add3A_9] : memref<16384xi32, #tpu.memory_space<hbm>> -> memref<256xi32, #tpu.memory_space<hbm>>
    tpu.enqueue_dma source(%dma_start3A_15 : memref<256xi32, #tpu.memory_space<hbm>>) target(%dma_start3A_14 : memref<256xi32, #tpu.memory_space<vmem>>) target_semaphore(%arg8 : memref<!tpu.dma_semaphore, #tpu.memory_space<semaphore_mem>>)
    %dma_wait3A = arith.constant 0 : i32
    %dma_wait3A_16 = tpu.memref_slice %arg5[%dma_wait3A] : memref<512xi32, #tpu.memory_space<vmem>> -> memref<256xi32, #tpu.memory_space<vmem>>
    %dma_wait3A_17 = tpu.memref_slice %arg2[%mul3A_2] : memref<16384xi32, #tpu.memory_space<hbm>> -> memref<256xi32, #tpu.memory_space<hbm>>
    %dma_wait3A_18 = arith.constant 0 : i32
    %dma_wait3A_19 = tpu.memref_slice %arg5[%dma_wait3A_18] : memref<512xi32, #tpu.memory_space<vmem>> -> memref<256xi32, #tpu.memory_space<vmem>>
    %dma_wait3A_20 = tpu.memref_slice %arg2[%mul3A_2] : memref<16384xi32, #tpu.memory_space<hbm>> -> memref<256xi32, #tpu.memory_space<hbm>>
    tpu.wait_dma2 semaphore(%arg8 : memref<!tpu.dma_semaphore, #tpu.memory_space<semaphore_mem>>) src(%dma_wait3A_20 : memref<256xi32, #tpu.memory_space<hbm>>) dst(%dma_wait3A_19 : memref<256xi32, #tpu.memory_space<vmem>>)
    tpu.wait_dma2 semaphore(%arg9 : memref<!tpu.dma_semaphore, #tpu.memory_space<semaphore_mem>>) src(%arg3 : memref<400xf32, #tpu.memory_space<hbm>>) dst(%arg6 : memref<400xf32, #tpu.memory_space<vmem>>)
    %iota3A = tpu.iota {dimensions = array<i32: 0>} : vector<16xi32>
    %broadcast_in_dim3A = arith.constant 4 : i32
    %broadcast_in_dim3A_21 = vector.broadcast %broadcast_in_dim3A : i32 to vector<16xi32>
    %mul3A_22 = arith.muli %iota3A, %broadcast_in_dim3A_21 : vector<16xi32>
    %broadcast_in_dim3A_23 = arith.constant 0 : i32
    %broadcast_in_dim3A_24 = vector.broadcast %broadcast_in_dim3A_23 : i32 to vector<16xi32>
    %broadcast_in_dim3A_25 = arith.constant 1 : i32
    %broadcast_in_dim3A_26 = vector.broadcast %broadcast_in_dim3A_25 : i32 to vector<16xi32>
    %broadcast_in_dim3A_27 = arith.constant 2 : i32
    %broadcast_in_dim3A_28 = vector.broadcast %broadcast_in_dim3A_27 : i32 to vector<16xi32>
    %broadcast_in_dim3A_29 = arith.constant 3 : i32
    %broadcast_in_dim3A_30 = vector.broadcast %broadcast_in_dim3A_29 : i32 to vector<16xi32>
    %get3A = arith.constant 0 : index
    %get3A_31 = tpu.vector_load %arg5[%get3A] {strides = array<i32>} : memref<512xi32, #tpu.memory_space<vmem>>, vector<16xi32>,
    %mul3A_32 = arith.muli %get3A_31, %broadcast_in_dim3A_21 : vector<16xi32>
    %broadcast_in_dim3A_33 = arith.constant 0 : i32
    %broadcast_in_dim3A_34 = vector.broadcast %broadcast_in_dim3A_33 : i32 to vector<16xi32>
    %add3A_35 = arith.addi %broadcast_in_dim3A_34, %mul3A_22 : vector<16xi32>
    %add3A_36 = arith.addi %mul3A_32, %broadcast_in_dim3A_24 : vector<16xi32>
    %gather3A = tpu.vector_load_idx %arg6[%add3A_36] : memref<400xf32, #tpu.memory_space<vmem>>[vector<16xi32>], vector<16xf32>,
    %add3A_37 = arith.addi %add3A_35, %broadcast_in_dim3A_24 : vector<16xi32>
    tpu.vector_store_idx %arg7[%add3A_37], %gather3A : memref<2048xf32, #tpu.memory_space<vmem>>[vector<16xi32>], vector<16xf32>,
    %add3A_38 = arith.addi %mul3A_32, %broadcast_in_dim3A_26 : vector<16xi32>
    %gather3A_39 = tpu.vector_load_idx %arg6[%add3A_38] : memref<400xf32, #tpu.memory_space<vmem>>[vector<16xi32>], vector<16xf32>,
    %add3A_40 = arith.addi %add3A_35, %broadcast_in_dim3A_26 : vector<16xi32>
    tpu.vector_store_idx %arg7[%add3A_40], %gather3A_39 : memref<2048xf32, #tpu.memory_space<vmem>>[vector<16xi32>], vector<16xf32>,
    %add3A_41 = arith.addi %mul3A_32, %broadcast_in_dim3A_28 : vector<16xi32>
    %gather3A_42 = tpu.vector_load_idx %arg6[%add3A_41] : memref<400xf32, #tpu.memory_space<vmem>>[vector<16xi32>], vector<16xf32>,
    %add3A_43 = arith.addi %add3A_35, %broadcast_in_dim3A_28 : vector<16xi32>
    tpu.vector_store_idx %arg7[%add3A_43], %gather3A_42 : memref<2048xf32, #tpu.memory_space<vmem>>[vector<16xi32>], vector<16xf32>,
    %add3A_44 = arith.addi %mul3A_32, %broadcast_in_dim3A_30 : vector<16xi32>
    %gather3A_45 = tpu.vector_load_idx %arg6[%add3A_44] : memref<400xf32, #tpu.memory_space<vmem>>[vector<16xi32>], vector<16xf32>,
    %add3A_46 = arith.addi %add3A_35, %broadcast_in_dim3A_30 : vector<16xi32>
    tpu.vector_store_idx %arg7[%add3A_46], %gather3A_45 : memref<2048xf32, #tpu.memory_space<vmem>>[vector<16xi32>], vector<16xf32>,
    %get3A_47 = arith.constant 16 : index
    %get3A_48 = tpu.vector_load %arg5[%get3A_47] {strides = array<i32>} : memref<512xi32, #tpu.memory_space<vmem>>, vector<16xi32>,
    %mul3A_49 = arith.muli %get3A_48, %broadcast_in_dim3A_21 : vector<16xi32>
    %broadcast_in_dim3A_50 = arith.constant 64 : i32
    %broadcast_in_dim3A_51 = vector.broadcast %broadcast_in_dim3A_50 : i32 to vector<16xi32>
    %add3A_52 = arith.addi %broadcast_in_dim3A_51, %mul3A_22 : vector<16xi32>
    %add3A_53 = arith.addi %mul3A_49, %broadcast_in_dim3A_24 : vector<16xi32>
    %gather3A_54 = tpu.vector_load_idx %arg6[%add3A_53] : memref<400xf32, #tpu.memory_space<vmem>>[vector<16xi32>], vector<16xf32>,
    %add3A_55 = arith.addi %add3A_52, %broadcast_in_dim3A_24 : vector<16xi32>
    tpu.vector_store_idx %arg7[%add3A_55], %gather3A_54 : memref<2048xf32, #tpu.memory_space<vmem>>[vector<16xi32>], vector<16xf32>,
    %add3A_56 = arith.addi %mul3A_49, %broadcast_in_dim3A_26 : vector<16xi32>
    %gather3A_57 = tpu.vector_load_idx %arg6[%add3A_56] : memref<400xf32, #tpu.memory_space<vmem>>[vector<16xi32>], vector<16xf32>,
    %add3A_58 = arith.addi %add3A_52, %broadcast_in_dim3A_26 : vector<16xi32>
    tpu.vector_store_idx %arg7[%add3A_58], %gather3A_57 : memref<2048xf32, #tpu.memory_space<vmem>>[vector<16xi32>], vector<16xf32>,
    %add3A_59 = arith.addi %mul3A_49, %broadcast_in_dim3A_28 : vector<16xi32>
    %gather3A_60 = tpu.vector_load_idx %arg6[%add3A_59] : memref<400xf32, #tpu.memory_space<vmem>>[vector<16xi32>], vector<16xf32>,
    %add3A_61 = arith.addi %add3A_52, %broadcast_in_dim3A_28 : vector<16xi32>
    tpu.vector_store_idx %arg7[%add3A_61], %gather3A_60 : memref<2048xf32, #tpu.memory_space<vmem>>[vector<16xi32>], vector<16xf32>,
    %add3A_62 = arith.addi %mul3A_49, %broadcast_in_dim3A_30 : vector<16xi32>
    %gather3A_63 = tpu.vector_load_idx %arg6[%add3A_62] : memref<400xf32, #tpu.memory_space<vmem>>[vector<16xi32>], vector<16xf32>,
    %add3A_64 = arith.addi %add3A_52, %broadcast_in_dim3A_30 : vector<16xi32>
    tpu.vector_store_idx %arg7[%add3A_64], %gather3A_63 : memref<2048xf32, #tpu.memory_space<vmem>>[vector<16xi32>], vector<16xf32>,
    %get3A_65 = arith.constant 32 : index
    %get3A_66 = tpu.vector_load %arg5[%get3A_65] {strides = array<i32>} : memref<512xi32, #tpu.memory_space<vmem>>, vector<16xi32>,
    %mul3A_67 = arith.muli %get3A_66, %broadcast_in_dim3A_21 : vector<16xi32>
    %broadcast_in_dim3A_68 = arith.constant 128 : i32
    %broadcast_in_dim3A_69 = vector.broadcast %broadcast_in_dim3A_68 : i32 to vector<16xi32>
    %add3A_70 = arith.addi %broadcast_in_dim3A_69, %mul3A_22 : vector<16xi32>
    %add3A_71 = arith.addi %mul3A_67, %broadcast_in_dim3A_24 : vector<16xi32>
    %gather3A_72 = tpu.vector_load_idx %arg6[%add3A_71] : memref<400xf32, #tpu.memory_space<vmem>>[vector<16xi32>], vector<16xf32>,
    %add3A_73 = arith.addi %add3A_70, %broadcast_in_dim3A_24 : vector<16xi32>
    tpu.vector_store_idx %arg7[%add3A_73], %gather3A_72 : memref<2048xf32, #tpu.memory_space<vmem>>[vector<16xi32>], vector<16xf32>,
    %add3A_74 = arith.addi %mul3A_67, %broadcast_in_dim3A_26 : vector<16xi32>
    %gather3A_75 = tpu.vector_load_idx %arg6[%add3A_74] : memref<400xf32, #tpu.memory_space<vmem>>[vector<16xi32>], vector<16xf32>,
    %add3A_76 = arith.addi %add3A_70, %broadcast_in_dim3A_26 : vector<16xi32>
    tpu.vector_store_idx %arg7[%add3A_76], %gather3A_75 : memref<2048xf32, #tpu.memory_space<vmem>>[vector<16xi32>], vector<16xf32>,
    %add3A_77 = arith.addi %mul3A_67, %broadcast_in_dim3A_28 : vector<16xi32>
    %gather3A_78 = tpu.vector_load_idx %arg6[%add3A_77] : memref<400xf32, #tpu.memory_space<vmem>>[vector<16xi32>], vector<16xf32>,
    %add3A_79 = arith.addi %add3A_70, %broadcast_in_dim3A_28 : vector<16xi32>
    tpu.vector_store_idx %arg7[%add3A_79], %gather3A_78 : memref<2048xf32, #tpu.memory_space<vmem>>[vector<16xi32>], vector<16xf32>,
    %add3A_80 = arith.addi %mul3A_67, %broadcast_in_dim3A_30 : vector<16xi32>
    %gather3A_81 = tpu.vector_load_idx %arg6[%add3A_80] : memref<400xf32, #tpu.memory_space<vmem>>[vector<16xi32>], vector<16xf32>,
    %add3A_82 = arith.addi %add3A_70, %broadcast_in_dim3A_30 : vector<16xi32>
    tpu.vector_store_idx %arg7[%add3A_82], %gather3A_81 : memref<2048xf32, #tpu.memory_space<vmem>>[vector<16xi32>], vector<16xf32>,
    %get3A_83 = arith.constant 48 : index
    %get3A_84 = tpu.vector_load %arg5[%get3A_83] {strides = array<i32>} : memref<512xi32, #tpu.memory_space<vmem>>, vector<16xi32>,
    %mul3A_85 = arith.muli %get3A_84, %broadcast_in_dim3A_21 : vector<16xi32>
    %broadcast_in_dim3A_86 = arith.constant 192 : i32
    %broadcast_in_dim3A_87 = vector.broadcast %broadcast_in_dim3A_86 : i32 to vector<16xi32>
    %add3A_88 = arith.addi %broadcast_in_dim3A_87, %mul3A_22 : vector<16xi32>
    %add3A_89 = arith.addi %mul3A_85, %broadcast_in_dim3A_24 : vector<16xi32>
    %gather3A_90 = tpu.vector_load_idx %arg6[%add3A_89] : memref<400xf32, #tpu.memory_space<vmem>>[vector<16xi32>], vector<16xf32>,
    %add3A_91 = arith.addi %add3A_88, %broadcast_in_dim3A_24 : vector<16xi32>
    tpu.vector_store_idx %arg7[%add3A_91], %gather3A_90 : memref<2048xf32, #tpu.memory_space<vmem>>[vector<16xi32>], vector<16xf32>,
    %add3A_92 = arith.addi %mul3A_85, %broadcast_in_dim3A_26 : vector<16xi32>
    %gather3A_93 = tpu.vector_load_idx %arg6[%add3A_92] : memref<400xf32, #tpu.memory_space<vmem>>[vector<16xi32>], vector<16xf32>,
    %add3A_94 = arith.addi %add3A_88, %broadcast_in_dim3A_26 : vector<16xi32>
    tpu.vector_store_idx %arg7[%add3A_94], %gather3A_93 : memref<2048xf32, #tpu.memory_space<vmem>>[vector<16xi32>], vector<16xf32>,
    %add3A_95 = arith.addi %mul3A_85, %broadcast_in_dim3A_28 : vector<16xi32>
    %gather3A_96 = tpu.vector_load_idx %arg6[%add3A_95] : memref<400xf32, #tpu.memory_space<vmem>>[vector<16xi32>], vector<16xf32>,
    %add3A_97 = arith.addi %add3A_88, %broadcast_in_dim3A_28 : vector<16xi32>
    tpu.vector_store_idx %arg7[%add3A_97], %gather3A_96 : memref<2048xf32, #tpu.memory_space<vmem>>[vector<16xi32>], vector<16xf32>,
    %add3A_98 = arith.addi %mul3A_85, %broadcast_in_dim3A_30 : vector<16xi32>
    %gather3A_99 = tpu.vector_load_idx %arg6[%add3A_98] : memref<400xf32, #tpu.memory_space<vmem>>[vector<16xi32>], vector<16xf32>,
    %add3A_100 = arith.addi %add3A_88, %broadcast_in_dim3A_30 : vector<16xi32>
    tpu.vector_store_idx %arg7[%add3A_100], %gather3A_99 : memref<2048xf32, #tpu.memory_space<vmem>>[vector<16xi32>], vector<16xf32>,
    %get3A_101 = arith.constant 64 : index
    %get3A_102 = tpu.vector_load %arg5[%get3A_101] {strides = array<i32>} : memref<512xi32, #tpu.memory_space<vmem>>, vector<16xi32>,
    %mul3A_103 = arith.muli %get3A_102, %broadcast_in_dim3A_21 : vector<16xi32>
    %broadcast_in_dim3A_104 = arith.constant 256 : i32
    %broadcast_in_dim3A_105 = vector.broadcast %broadcast_in_dim3A_104 : i32 to vector<16xi32>
    %add3A_106 = arith.addi %broadcast_in_dim3A_105, %mul3A_22 : vector<16xi32>
    %add3A_107 = arith.addi %mul3A_103, %broadcast_in_dim3A_24 : vector<16xi32>
    %gather3A_108 = tpu.vector_load_idx %arg6[%add3A_107] : memref<400xf32, #tpu.memory_space<vmem>>[vector<16xi32>], vector<16xf32>,
    %add3A_109 = arith.addi %add3A_106, %broadcast_in_dim3A_24 : vector<16xi32>
    tpu.vector_store_idx %arg7[%add3A_109], %gather3A_108 : memref<2048xf32, #tpu.memory_space<vmem>>[vector<16xi32>], vector<16xf32>,
    %add3A_110 = arith.addi %mul3A_103, %broadcast_in_dim3A_26 : vector<16xi32>
    %gather3A_111 = tpu.vector_load_idx %arg6[%add3A_110] : memref<400xf32, #tpu.memory_space<vmem>>[vector<16xi32>], vector<16xf32>,
    %add3A_112 = arith.addi %add3A_106, %broadcast_in_dim3A_26 : vector<16xi32>
    tpu.vector_store_idx %arg7[%add3A_112], %gather3A_111 : memref<2048xf32, #tpu.memory_space<vmem>>[vector<16xi32>], vector<16xf32>,
    %add3A_113 = arith.addi %mul3A_103, %broadcast_in_dim3A_28 : vector<16xi32>
    %gather3A_114 = tpu.vector_load_idx %arg6[%add3A_113] : memref<400xf32, #tpu.memory_space<vmem>>[vector<16xi32>], vector<16xf32>,
    %add3A_115 = arith.addi %add3A_106, %broadcast_in_dim3A_28 : vector<16xi32>
    tpu.vector_store_idx %arg7[%add3A_115], %gather3A_114 : memref<2048xf32, #tpu.memory_space<vmem>>[vector<16xi32>], vector<16xf32>,
    %add3A_116 = arith.addi %mul3A_103, %broadcast_in_dim3A_30 : vector<16xi32>
    %gather3A_117 = tpu.vector_load_idx %arg6[%add3A_116] : memref<400xf32, #tpu.memory_space<vmem>>[vector<16xi32>], vector<16xf32>,
    %add3A_118 = arith.addi %add3A_106, %broadcast_in_dim3A_30 : vector<16xi32>
    tpu.vector_store_idx %arg7[%add3A_118], %gather3A_117 : memref<2048xf32, #tpu.memory_space<vmem>>[vector<16xi32>], vector<16xf32>,
    %get3A_119 = arith.constant 80 : index
    %get3A_120 = tpu.vector_load %arg5[%get3A_119] {strides = array<i32>} : memref<512xi32, #tpu.memory_space<vmem>>, vector<16xi32>,
    %mul3A_121 = arith.muli %get3A_120, %broadcast_in_dim3A_21 : vector<16xi32>
    %broadcast_in_dim3A_122 = arith.constant 320 : i32
    %broadcast_in_dim3A_123 = vector.broadcast %broadcast_in_dim3A_122 : i32 to vector<16xi32>
    %add3A_124 = arith.addi %broadcast_in_dim3A_123, %mul3A_22 : vector<16xi32>
    %add3A_125 = arith.addi %mul3A_121, %broadcast_in_dim3A_24 : vector<16xi32>
    %gather3A_126 = tpu.vector_load_idx %arg6[%add3A_125] : memref<400xf32, #tpu.memory_space<vmem>>[vector<16xi32>], vector<16xf32>,
    %add3A_127 = arith.addi %add3A_124, %broadcast_in_dim3A_24 : vector<16xi32>
    tpu.vector_store_idx %arg7[%add3A_127], %gather3A_126 : memref<2048xf32, #tpu.memory_space<vmem>>[vector<16xi32>], vector<16xf32>,
    %add3A_128 = arith.addi %mul3A_121, %broadcast_in_dim3A_26 : vector<16xi32>
    %gather3A_129 = tpu.vector_load_idx %arg6[%add3A_128] : memref<400xf32, #tpu.memory_space<vmem>>[vector<16xi32>], vector<16xf32>,
    %add3A_130 = arith.addi %add3A_124, %broadcast_in_dim3A_26 : vector<16xi32>
    tpu.vector_store_idx %arg7[%add3A_130], %gather3A_129 : memref<2048xf32, #tpu.memory_space<vmem>>[vector<16xi32>], vector<16xf32>,
    %add3A_131 = arith.addi %mul3A_121, %broadcast_in_dim3A_28 : vector<16xi32>
    %gather3A_132 = tpu.vector_load_idx %arg6[%add3A_131] : memref<400xf32, #tpu.memory_space<vmem>>[vector<16xi32>], vector<16xf32>,
    %add3A_133 = arith.addi %add3A_124, %broadcast_in_dim3A_28 : vector<16xi32>
    tpu.vector_store_idx %arg7[%add3A_133], %gather3A_132 : memref<2048xf32, #tpu.memory_space<vmem>>[vector<16xi32>], vector<16xf32>,
    %add3A_134 = arith.addi %mul3A_121, %broadcast_in_dim3A_30 : vector<16xi32>
    %gather3A_135 = tpu.vector_load_idx %arg6[%add3A_134] : memref<400xf32, #tpu.memory_space<vmem>>[vector<16xi32>], vector<16xf32>,
    %add3A_136 = arith.addi %add3A_124, %broadcast_in_dim3A_30 : vector<16xi32>
    tpu.vector_store_idx %arg7[%add3A_136], %gather3A_135 : memref<2048xf32, #tpu.memory_space<vmem>>[vector<16xi32>], vector<16xf32>,
    %get3A_137 = arith.constant 96 : index
    %get3A_138 = tpu.vector_load %arg5[%get3A_137] {strides = array<i32>} : memref<512xi32, #tpu.memory_space<vmem>>, vector<16xi32>,
    %mul3A_139 = arith.muli %get3A_138, %broadcast_in_dim3A_21 : vector<16xi32>
    %broadcast_in_dim3A_140 = arith.constant 384 : i32
    %broadcast_in_dim3A_141 = vector.broadcast %broadcast_in_dim3A_140 : i32 to vector<16xi32>
    %add3A_142 = arith.addi %broadcast_in_dim3A_141, %mul3A_22 : vector<16xi32>
    %add3A_143 = arith.addi %mul3A_139, %broadcast_in_dim3A_24 : vector<16xi32>
    %gather3A_144 = tpu.vector_load_idx %arg6[%add3A_143] : memref<400xf32, #tpu.memory_space<vmem>>[vector<16xi32>], vector<16xf32>,
    %add3A_145 = arith.addi %add3A_142, %broadcast_in_dim3A_24 : vector<16xi32>
    tpu.vector_store_idx %arg7[%add3A_145], %gather3A_144 : memref<2048xf32, #tpu.memory_space<vmem>>[vector<16xi32>], vector<16xf32>,
    %add3A_146 = arith.addi %mul3A_139, %broadcast_in_dim3A_26 : vector<16xi32>
    %gather3A_147 = tpu.vector_load_idx %arg6[%add3A_146] : memref<400xf32, #tpu.memory_space<vmem>>[vector<16xi32>], vector<16xf32>,
    %add3A_148 = arith.addi %add3A_142, %broadcast_in_dim3A_26 : vector<16xi32>
    tpu.vector_store_idx %arg7[%add3A_148], %gather3A_147 : memref<2048xf32, #tpu.memory_space<vmem>>[vector<16xi32>], vector<16xf32>,
    %add3A_149 = arith.addi %mul3A_139, %broadcast_in_dim3A_28 : vector<16xi32>
    %gather3A_150 = tpu.vector_load_idx %arg6[%add3A_149] : memref<400xf32, #tpu.memory_space<vmem>>[vector<16xi32>], vector<16xf32>,
    %add3A_151 = arith.addi %add3A_142, %broadcast_in_dim3A_28 : vector<16xi32>
    tpu.vector_store_idx %arg7[%add3A_151], %gather3A_150 : memref<2048xf32, #tpu.memory_space<vmem>>[vector<16xi32>], vector<16xf32>,
    %add3A_152 = arith.addi %mul3A_139, %broadcast_in_dim3A_30 : vector<16xi32>
    %gather3A_153 = tpu.vector_load_idx %arg6[%add3A_152] : memref<400xf32, #tpu.memory_space<vmem>>[vector<16xi32>], vector<16xf32>,
    %add3A_154 = arith.addi %add3A_142, %broadcast_in_dim3A_30 : vector<16xi32>
    tpu.vector_store_idx %arg7[%add3A_154], %gather3A_153 : memref<2048xf32, #tpu.memory_space<vmem>>[vector<16xi32>], vector<16xf32>,
    %get3A_155 = arith.constant 112 : index
    %get3A_156 = tpu.vector_load %arg5[%get3A_155] {strides = array<i32>} : memref<512xi32, #tpu.memory_space<vmem>>, vector<16xi32>,
    %mul3A_157 = arith.muli %get3A_156, %broadcast_in_dim3A_21 : vector<16xi32>
    %broadcast_in_dim3A_158 = arith.constant 448 : i32
    %broadcast_in_dim3A_159 = vector.broadcast %broadcast_in_dim3A_158 : i32 to vector<16xi32>
    %add3A_160 = arith.addi %broadcast_in_dim3A_159, %mul3A_22 : vector<16xi32>
    %add3A_161 = arith.addi %mul3A_157, %broadcast_in_dim3A_24 : vector<16xi32>
    %gather3A_162 = tpu.vector_load_idx %arg6[%add3A_161] : memref<400xf32, #tpu.memory_space<vmem>>[vector<16xi32>], vector<16xf32>,
    %add3A_163 = arith.addi %add3A_160, %broadcast_in_dim3A_24 : vector<16xi32>
    tpu.vector_store_idx %arg7[%add3A_163], %gather3A_162 : memref<2048xf32, #tpu.memory_space<vmem>>[vector<16xi32>], vector<16xf32>,
    %add3A_164 = arith.addi %mul3A_157, %broadcast_in_dim3A_26 : vector<16xi32>
    %gather3A_165 = tpu.vector_load_idx %arg6[%add3A_164] : memref<400xf32, #tpu.memory_space<vmem>>[vector<16xi32>], vector<16xf32>,
    %add3A_166 = arith.addi %add3A_160, %broadcast_in_dim3A_26 : vector<16xi32>
    tpu.vector_store_idx %arg7[%add3A_166], %gather3A_165 : memref<2048xf32, #tpu.memory_space<vmem>>[vector<16xi32>], vector<16xf32>,
    %add3A_167 = arith.addi %mul3A_157, %broadcast_in_dim3A_28 : vector<16xi32>
    %gather3A_168 = tpu.vector_load_idx %arg6[%add3A_167] : memref<400xf32, #tpu.memory_space<vmem>>[vector<16xi32>], vector<16xf32>,
    %add3A_169 = arith.addi %add3A_160, %broadcast_in_dim3A_28 : vector<16xi32>
    tpu.vector_store_idx %arg7[%add3A_169], %gather3A_168 : memref<2048xf32, #tpu.memory_space<vmem>>[vector<16xi32>], vector<16xf32>,
    %add3A_170 = arith.addi %mul3A_157, %broadcast_in_dim3A_30 : vector<16xi32>
    %gather3A_171 = tpu.vector_load_idx %arg6[%add3A_170] : memref<400xf32, #tpu.memory_space<vmem>>[vector<16xi32>], vector<16xf32>,
    %add3A_172 = arith.addi %add3A_160, %broadcast_in_dim3A_30 : vector<16xi32>
    tpu.vector_store_idx %arg7[%add3A_172], %gather3A_171 : memref<2048xf32, #tpu.memory_space<vmem>>[vector<16xi32>], vector<16xf32>,
    %get3A_173 = arith.constant 128 : index
    %get3A_174 = tpu.vector_load %arg5[%get3A_173] {strides = array<i32>} : memref<512xi32, #tpu.memory_space<vmem>>, vector<16xi32>,
    %mul3A_175 = arith.muli %get3A_174, %broadcast_in_dim3A_21 : vector<16xi32>
    %broadcast_in_dim3A_176 = arith.constant 512 : i32
    %broadcast_in_dim3A_177 = vector.broadcast %broadcast_in_dim3A_176 : i32 to vector<16xi32>
    %add3A_178 = arith.addi %broadcast_in_dim3A_177, %mul3A_22 : vector<16xi32>
    %add3A_179 = arith.addi %mul3A_175, %broadcast_in_dim3A_24 : vector<16xi32>
    %gather3A_180 = tpu.vector_load_idx %arg6[%add3A_179] : memref<400xf32, #tpu.memory_space<vmem>>[vector<16xi32>], vector<16xf32>,
    %add3A_181 = arith.addi %add3A_178, %broadcast_in_dim3A_24 : vector<16xi32>
    tpu.vector_store_idx %arg7[%add3A_181], %gather3A_180 : memref<2048xf32, #tpu.memory_space<vmem>>[vector<16xi32>], vector<16xf32>,
    %add3A_182 = arith.addi %mul3A_175, %broadcast_in_dim3A_26 : vector<16xi32>
    %gather3A_183 = tpu.vector_load_idx %arg6[%add3A_182] : memref<400xf32, #tpu.memory_space<vmem>>[vector<16xi32>], vector<16xf32>,
    %add3A_184 = arith.addi %add3A_178, %broadcast_in_dim3A_26 : vector<16xi32>
    tpu.vector_store_idx %arg7[%add3A_184], %gather3A_183 : memref<2048xf32, #tpu.memory_space<vmem>>[vector<16xi32>], vector<16xf32>,
    %add3A_185 = arith.addi %mul3A_175, %broadcast_in_dim3A_28 : vector<16xi32>
    %gather3A_186 = tpu.vector_load_idx %arg6[%add3A_185] : memref<400xf32, #tpu.memory_space<vmem>>[vector<16xi32>], vector<16xf32>,
    %add3A_187 = arith.addi %add3A_178, %broadcast_in_dim3A_28 : vector<16xi32>
    tpu.vector_store_idx %arg7[%add3A_187], %gather3A_186 : memref<2048xf32, #tpu.memory_space<vmem>>[vector<16xi32>], vector<16xf32>,
    %add3A_188 = arith.addi %mul3A_175, %broadcast_in_dim3A_30 : vector<16xi32>
    %gather3A_189 = tpu.vector_load_idx %arg6[%add3A_188] : memref<400xf32, #tpu.memory_space<vmem>>[vector<16xi32>], vector<16xf32>,
    %add3A_190 = arith.addi %add3A_178, %broadcast_in_dim3A_30 : vector<16xi32>
    tpu.vector_store_idx %arg7[%add3A_190], %gather3A_189 : memref<2048xf32, #tpu.memory_space<vmem>>[vector<16xi32>], vector<16xf32>,
    %get3A_191 = arith.constant 144 : index
    %get3A_192 = tpu.vector_load %arg5[%get3A_191] {strides = array<i32>} : memref<512xi32, #tpu.memory_space<vmem>>, vector<16xi32>,
    %mul3A_193 = arith.muli %get3A_192, %broadcast_in_dim3A_21 : vector<16xi32>
    %broadcast_in_dim3A_194 = arith.constant 576 : i32
    %broadcast_in_dim3A_195 = vector.broadcast %broadcast_in_dim3A_194 : i32 to vector<16xi32>
    %add3A_196 = arith.addi %broadcast_in_dim3A_195, %mul3A_22 : vector<16xi32>
    %add3A_197 = arith.addi %mul3A_193, %broadcast_in_dim3A_24 : vector<16xi32>
    %gather3A_198 = tpu.vector_load_idx %arg6[%add3A_197] : memref<400xf32, #tpu.memory_space<vmem>>[vector<16xi32>], vector<16xf32>,
    %add3A_199 = arith.addi %add3A_196, %broadcast_in_dim3A_24 : vector<16xi32>
    tpu.vector_store_idx %arg7[%add3A_199], %gather3A_198 : memref<2048xf32, #tpu.memory_space<vmem>>[vector<16xi32>], vector<16xf32>,
    %add3A_200 = arith.addi %mul3A_193, %broadcast_in_dim3A_26 : vector<16xi32>
    %gather3A_201 = tpu.vector_load_idx %arg6[%add3A_200] : memref<400xf32, #tpu.memory_space<vmem>>[vector<16xi32>], vector<16xf32>,
    %add3A_202 = arith.addi %add3A_196, %broadcast_in_dim3A_26 : vector<16xi32>
    tpu.vector_store_idx %arg7[%add3A_202], %gather3A_201 : memref<2048xf32, #tpu.memory_space<vmem>>[vector<16xi32>], vector<16xf32>,
    %add3A_203 = arith.addi %mul3A_193, %broadcast_in_dim3A_28 : vector<16xi32>
    %gather3A_204 = tpu.vector_load_idx %arg6[%add3A_203] : memref<400xf32, #tpu.memory_space<vmem>>[vector<16xi32>], vector<16xf32>,
    %add3A_205 = arith.addi %add3A_196, %broadcast_in_dim3A_28 : vector<16xi32>
    tpu.vector_store_idx %arg7[%add3A_205], %gather3A_204 : memref<2048xf32, #tpu.memory_space<vmem>>[vector<16xi32>], vector<16xf32>,
    %add3A_206 = arith.addi %mul3A_193, %broadcast_in_dim3A_30 : vector<16xi32>
    %gather3A_207 = tpu.vector_load_idx %arg6[%add3A_206] : memref<400xf32, #tpu.memory_space<vmem>>[vector<16xi32>], vector<16xf32>,
    %add3A_208 = arith.addi %add3A_196, %broadcast_in_dim3A_30 : vector<16xi32>
    tpu.vector_store_idx %arg7[%add3A_208], %gather3A_207 : memref<2048xf32, #tpu.memory_space<vmem>>[vector<16xi32>], vector<16xf32>,
    %get3A_209 = arith.constant 160 : index
    %get3A_210 = tpu.vector_load %arg5[%get3A_209] {strides = array<i32>} : memref<512xi32, #tpu.memory_space<vmem>>, vector<16xi32>,
    %mul3A_211 = arith.muli %get3A_210, %broadcast_in_dim3A_21 : vector<16xi32>
    %broadcast_in_dim3A_212 = arith.constant 640 : i32
    %broadcast_in_dim3A_213 = vector.broadcast %broadcast_in_dim3A_212 : i32 to vector<16xi32>
    %add3A_214 = arith.addi %broadcast_in_dim3A_213, %mul3A_22 : vector<16xi32>
    %add3A_215 = arith.addi %mul3A_211, %broadcast_in_dim3A_24 : vector<16xi32>
    %gather3A_216 = tpu.vector_load_idx %arg6[%add3A_215] : memref<400xf32, #tpu.memory_space<vmem>>[vector<16xi32>], vector<16xf32>,
    %add3A_217 = arith.addi %add3A_214, %broadcast_in_dim3A_24 : vector<16xi32>
    tpu.vector_store_idx %arg7[%add3A_217], %gather3A_216 : memref<2048xf32, #tpu.memory_space<vmem>>[vector<16xi32>], vector<16xf32>,
    %add3A_218 = arith.addi %mul3A_211, %broadcast_in_dim3A_26 : vector<16xi32>
    %gather3A_219 = tpu.vector_load_idx %arg6[%add3A_218] : memref<400xf32, #tpu.memory_space<vmem>>[vector<16xi32>], vector<16xf32>,
    %add3A_220 = arith.addi %add3A_214, %broadcast_in_dim3A_26 : vector<16xi32>
    tpu.vector_store_idx %arg7[%add3A_220], %gather3A_219 : memref<2048xf32, #tpu.memory_space<vmem>>[vector<16xi32>], vector<16xf32>,
    %add3A_221 = arith.addi %mul3A_211, %broadcast_in_dim3A_28 : vector<16xi32>
    %gather3A_222 = tpu.vector_load_idx %arg6[%add3A_221] : memref<400xf32, #tpu.memory_space<vmem>>[vector<16xi32>], vector<16xf32>,
    %add3A_223 = arith.addi %add3A_214, %broadcast_in_dim3A_28 : vector<16xi32>
    tpu.vector_store_idx %arg7[%add3A_223], %gather3A_222 : memref<2048xf32, #tpu.memory_space<vmem>>[vector<16xi32>], vector<16xf32>,
    %add3A_224 = arith.addi %mul3A_211, %broadcast_in_dim3A_30 : vector<16xi32>
    %gather3A_225 = tpu.vector_load_idx %arg6[%add3A_224] : memref<400xf32, #tpu.memory_space<vmem>>[vector<16xi32>], vector<16xf32>,
    %add3A_226 = arith.addi %add3A_214, %broadcast_in_dim3A_30 : vector<16xi32>
    tpu.vector_store_idx %arg7[%add3A_226], %gather3A_225 : memref<2048xf32, #tpu.memory_space<vmem>>[vector<16xi32>], vector<16xf32>,
    %get3A_227 = arith.constant 176 : index
    %get3A_228 = tpu.vector_load %arg5[%get3A_227] {strides = array<i32>} : memref<512xi32, #tpu.memory_space<vmem>>, vector<16xi32>,
    %mul3A_229 = arith.muli %get3A_228, %broadcast_in_dim3A_21 : vector<16xi32>
    %broadcast_in_dim3A_230 = arith.constant 704 : i32
    %broadcast_in_dim3A_231 = vector.broadcast %broadcast_in_dim3A_230 : i32 to vector<16xi32>
    %add3A_232 = arith.addi %broadcast_in_dim3A_231, %mul3A_22 : vector<16xi32>
    %add3A_233 = arith.addi %mul3A_229, %broadcast_in_dim3A_24 : vector<16xi32>
    %gather3A_234 = tpu.vector_load_idx %arg6[%add3A_233] : memref<400xf32, #tpu.memory_space<vmem>>[vector<16xi32>], vector<16xf32>,
    %add3A_235 = arith.addi %add3A_232, %broadcast_in_dim3A_24 : vector<16xi32>
    tpu.vector_store_idx %arg7[%add3A_235], %gather3A_234 : memref<2048xf32, #tpu.memory_space<vmem>>[vector<16xi32>], vector<16xf32>,
    %add3A_236 = arith.addi %mul3A_229, %broadcast_in_dim3A_26 : vector<16xi32>
    %gather3A_237 = tpu.vector_load_idx %arg6[%add3A_236] : memref<400xf32, #tpu.memory_space<vmem>>[vector<16xi32>], vector<16xf32>,
    %add3A_238 = arith.addi %add3A_232, %broadcast_in_dim3A_26 : vector<16xi32>
    tpu.vector_store_idx %arg7[%add3A_238], %gather3A_237 : memref<2048xf32, #tpu.memory_space<vmem>>[vector<16xi32>], vector<16xf32>,
    %add3A_239 = arith.addi %mul3A_229, %broadcast_in_dim3A_28 : vector<16xi32>
    %gather3A_240 = tpu.vector_load_idx %arg6[%add3A_239] : memref<400xf32, #tpu.memory_space<vmem>>[vector<16xi32>], vector<16xf32>,
    %add3A_241 = arith.addi %add3A_232, %broadcast_in_dim3A_28 : vector<16xi32>
    tpu.vector_store_idx %arg7[%add3A_241], %gather3A_240 : memref<2048xf32, #tpu.memory_space<vmem>>[vector<16xi32>], vector<16xf32>,
    %add3A_242 = arith.addi %mul3A_229, %broadcast_in_dim3A_30 : vector<16xi32>
    %gather3A_243 = tpu.vector_load_idx %arg6[%add3A_242] : memref<400xf32, #tpu.memory_space<vmem>>[vector<16xi32>], vector<16xf32>,
    %add3A_244 = arith.addi %add3A_232, %broadcast_in_dim3A_30 : vector<16xi32>
    tpu.vector_store_idx %arg7[%add3A_244], %gather3A_243 : memref<2048xf32, #tpu.memory_space<vmem>>[vector<16xi32>], vector<16xf32>,
    %get3A_245 = arith.constant 192 : index
    %get3A_246 = tpu.vector_load %arg5[%get3A_245] {strides = array<i32>} : memref<512xi32, #tpu.memory_space<vmem>>, vector<16xi32>,
    %mul3A_247 = arith.muli %get3A_246, %broadcast_in_dim3A_21 : vector<16xi32>
    %broadcast_in_dim3A_248 = arith.constant 768 : i32
    %broadcast_in_dim3A_249 = vector.broadcast %broadcast_in_dim3A_248 : i32 to vector<16xi32>
    %add3A_250 = arith.addi %broadcast_in_dim3A_249, %mul3A_22 : vector<16xi32>
    %add3A_251 = arith.addi %mul3A_247, %broadcast_in_dim3A_24 : vector<16xi32>
    %gather3A_252 = tpu.vector_load_idx %arg6[%add3A_251] : memref<400xf32, #tpu.memory_space<vmem>>[vector<16xi32>], vector<16xf32>,
    %add3A_253 = arith.addi %add3A_250, %broadcast_in_dim3A_24 : vector<16xi32>
    tpu.vector_store_idx %arg7[%add3A_253], %gather3A_252 : memref<2048xf32, #tpu.memory_space<vmem>>[vector<16xi32>], vector<16xf32>,
    %add3A_254 = arith.addi %mul3A_247, %broadcast_in_dim3A_26 : vector<16xi32>
    %gather3A_255 = tpu.vector_load_idx %arg6[%add3A_254] : memref<400xf32, #tpu.memory_space<vmem>>[vector<16xi32>], vector<16xf32>,
    %add3A_256 = arith.addi %add3A_250, %broadcast_in_dim3A_26 : vector<16xi32>
    tpu.vector_store_idx %arg7[%add3A_256], %gather3A_255 : memref<2048xf32, #tpu.memory_space<vmem>>[vector<16xi32>], vector<16xf32>,
    %add3A_257 = arith.addi %mul3A_247, %broadcast_in_dim3A_28 : vector<16xi32>
    %gather3A_258 = tpu.vector_load_idx %arg6[%add3A_257] : memref<400xf32, #tpu.memory_space<vmem>>[vector<16xi32>], vector<16xf32>,
    %add3A_259 = arith.addi %add3A_250, %broadcast_in_dim3A_28 : vector<16xi32>
    tpu.vector_store_idx %arg7[%add3A_259], %gather3A_258 : memref<2048xf32, #tpu.memory_space<vmem>>[vector<16xi32>], vector<16xf32>,
    %add3A_260 = arith.addi %mul3A_247, %broadcast_in_dim3A_30 : vector<16xi32>
    %gather3A_261 = tpu.vector_load_idx %arg6[%add3A_260] : memref<400xf32, #tpu.memory_space<vmem>>[vector<16xi32>], vector<16xf32>,
    %add3A_262 = arith.addi %add3A_250, %broadcast_in_dim3A_30 : vector<16xi32>
    tpu.vector_store_idx %arg7[%add3A_262], %gather3A_261 : memref<2048xf32, #tpu.memory_space<vmem>>[vector<16xi32>], vector<16xf32>,
    %get3A_263 = arith.constant 208 : index
    %get3A_264 = tpu.vector_load %arg5[%get3A_263] {strides = array<i32>} : memref<512xi32, #tpu.memory_space<vmem>>, vector<16xi32>,
    %mul3A_265 = arith.muli %get3A_264, %broadcast_in_dim3A_21 : vector<16xi32>
    %broadcast_in_dim3A_266 = arith.constant 832 : i32
    %broadcast_in_dim3A_267 = vector.broadcast %broadcast_in_dim3A_266 : i32 to vector<16xi32>
    %add3A_268 = arith.addi %broadcast_in_dim3A_267, %mul3A_22 : vector<16xi32>
    %add3A_269 = arith.addi %mul3A_265, %broadcast_in_dim3A_24 : vector<16xi32>
    %gather3A_270 = tpu.vector_load_idx %arg6[%add3A_269] : memref<400xf32, #tpu.memory_space<vmem>>[vector<16xi32>], vector<16xf32>,
    %add3A_271 = arith.addi %add3A_268, %broadcast_in_dim3A_24 : vector<16xi32>
    tpu.vector_store_idx %arg7[%add3A_271], %gather3A_270 : memref<2048xf32, #tpu.memory_space<vmem>>[vector<16xi32>], vector<16xf32>,
    %add3A_272 = arith.addi %mul3A_265, %broadcast_in_dim3A_26 : vector<16xi32>
    %gather3A_273 = tpu.vector_load_idx %arg6[%add3A_272] : memref<400xf32, #tpu.memory_space<vmem>>[vector<16xi32>], vector<16xf32>,
    %add3A_274 = arith.addi %add3A_268, %broadcast_in_dim3A_26 : vector<16xi32>
    tpu.vector_store_idx %arg7[%add3A_274], %gather3A_273 : memref<2048xf32, #tpu.memory_space<vmem>>[vector<16xi32>], vector<16xf32>,
    %add3A_275 = arith.addi %mul3A_265, %broadcast_in_dim3A_28 : vector<16xi32>
    %gather3A_276 = tpu.vector_load_idx %arg6[%add3A_275] : memref<400xf32, #tpu.memory_space<vmem>>[vector<16xi32>], vector<16xf32>,
    %add3A_277 = arith.addi %add3A_268, %broadcast_in_dim3A_28 : vector<16xi32>
    tpu.vector_store_idx %arg7[%add3A_277], %gather3A_276 : memref<2048xf32, #tpu.memory_space<vmem>>[vector<16xi32>], vector<16xf32>,
    %add3A_278 = arith.addi %mul3A_265, %broadcast_in_dim3A_30 : vector<16xi32>
    %gather3A_279 = tpu.vector_load_idx %arg6[%add3A_278] : memref<400xf32, #tpu.memory_space<vmem>>[vector<16xi32>], vector<16xf32>,
    %add3A_280 = arith.addi %add3A_268, %broadcast_in_dim3A_30 : vector<16xi32>
    tpu.vector_store_idx %arg7[%add3A_280], %gather3A_279 : memref<2048xf32, #tpu.memory_space<vmem>>[vector<16xi32>], vector<16xf32>,
    %get3A_281 = arith.constant 224 : index
    %get3A_282 = tpu.vector_load %arg5[%get3A_281] {strides = array<i32>} : memref<512xi32, #tpu.memory_space<vmem>>, vector<16xi32>,
    %mul3A_283 = arith.muli %get3A_282, %broadcast_in_dim3A_21 : vector<16xi32>
    %broadcast_in_dim3A_284 = arith.constant 896 : i32
    %broadcast_in_dim3A_285 = vector.broadcast %broadcast_in_dim3A_284 : i32 to vector<16xi32>
    %add3A_286 = arith.addi %broadcast_in_dim3A_285, %mul3A_22 : vector<16xi32>
    %add3A_287 = arith.addi %mul3A_283, %broadcast_in_dim3A_24 : vector<16xi32>
    %gather3A_288 = tpu.vector_load_idx %arg6[%add3A_287] : memref<400xf32, #tpu.memory_space<vmem>>[vector<16xi32>], vector<16xf32>,
    %add3A_289 = arith.addi %add3A_286, %broadcast_in_dim3A_24 : vector<16xi32>
    tpu.vector_store_idx %arg7[%add3A_289], %gather3A_288 : memref<2048xf32, #tpu.memory_space<vmem>>[vector<16xi32>], vector<16xf32>,
    %add3A_290 = arith.addi %mul3A_283, %broadcast_in_dim3A_26 : vector<16xi32>
    %gather3A_291 = tpu.vector_load_idx %arg6[%add3A_290] : memref<400xf32, #tpu.memory_space<vmem>>[vector<16xi32>], vector<16xf32>,
    %add3A_292 = arith.addi %add3A_286, %broadcast_in_dim3A_26 : vector<16xi32>
    tpu.vector_store_idx %arg7[%add3A_292], %gather3A_291 : memref<2048xf32, #tpu.memory_space<vmem>>[vector<16xi32>], vector<16xf32>,
    %add3A_293 = arith.addi %mul3A_283, %broadcast_in_dim3A_28 : vector<16xi32>
    %gather3A_294 = tpu.vector_load_idx %arg6[%add3A_293] : memref<400xf32, #tpu.memory_space<vmem>>[vector<16xi32>], vector<16xf32>,
    %add3A_295 = arith.addi %add3A_286, %broadcast_in_dim3A_28 : vector<16xi32>
    tpu.vector_store_idx %arg7[%add3A_295], %gather3A_294 : memref<2048xf32, #tpu.memory_space<vmem>>[vector<16xi32>], vector<16xf32>,
    %add3A_296 = arith.addi %mul3A_283, %broadcast_in_dim3A_30 : vector<16xi32>
    %gather3A_297 = tpu.vector_load_idx %arg6[%add3A_296] : memref<400xf32, #tpu.memory_space<vmem>>[vector<16xi32>], vector<16xf32>,
    %add3A_298 = arith.addi %add3A_286, %broadcast_in_dim3A_30 : vector<16xi32>
    tpu.vector_store_idx %arg7[%add3A_298], %gather3A_297 : memref<2048xf32, #tpu.memory_space<vmem>>[vector<16xi32>], vector<16xf32>,
    %get3A_299 = arith.constant 240 : index
    %get3A_300 = tpu.vector_load %arg5[%get3A_299] {strides = array<i32>} : memref<512xi32, #tpu.memory_space<vmem>>, vector<16xi32>,
    %mul3A_301 = arith.muli %get3A_300, %broadcast_in_dim3A_21 : vector<16xi32>
    %broadcast_in_dim3A_302 = arith.constant 960 : i32
    %broadcast_in_dim3A_303 = vector.broadcast %broadcast_in_dim3A_302 : i32 to vector<16xi32>
    %add3A_304 = arith.addi %broadcast_in_dim3A_303, %mul3A_22 : vector<16xi32>
    %add3A_305 = arith.addi %mul3A_301, %broadcast_in_dim3A_24 : vector<16xi32>
    %gather3A_306 = tpu.vector_load_idx %arg6[%add3A_305] : memref<400xf32, #tpu.memory_space<vmem>>[vector<16xi32>], vector<16xf32>,
    %add3A_307 = arith.addi %add3A_304, %broadcast_in_dim3A_24 : vector<16xi32>
    tpu.vector_store_idx %arg7[%add3A_307], %gather3A_306 : memref<2048xf32, #tpu.memory_space<vmem>>[vector<16xi32>], vector<16xf32>,
    %add3A_308 = arith.addi %mul3A_301, %broadcast_in_dim3A_26 : vector<16xi32>
    %gather3A_309 = tpu.vector_load_idx %arg6[%add3A_308] : memref<400xf32, #tpu.memory_space<vmem>>[vector<16xi32>], vector<16xf32>,
    %add3A_310 = arith.addi %add3A_304, %broadcast_in_dim3A_26 : vector<16xi32>
    tpu.vector_store_idx %arg7[%add3A_310], %gather3A_309 : memref<2048xf32, #tpu.memory_space<vmem>>[vector<16xi32>], vector<16xf32>,
    %add3A_311 = arith.addi %mul3A_301, %broadcast_in_dim3A_28 : vector<16xi32>
    %gather3A_312 = tpu.vector_load_idx %arg6[%add3A_311] : memref<400xf32, #tpu.memory_space<vmem>>[vector<16xi32>], vector<16xf32>,
    %add3A_313 = arith.addi %add3A_304, %broadcast_in_dim3A_28 : vector<16xi32>
    tpu.vector_store_idx %arg7[%add3A_313], %gather3A_312 : memref<2048xf32, #tpu.memory_space<vmem>>[vector<16xi32>], vector<16xf32>,
    %add3A_314 = arith.addi %mul3A_301, %broadcast_in_dim3A_30 : vector<16xi32>
    %gather3A_315 = tpu.vector_load_idx %arg6[%add3A_314] : memref<400xf32, #tpu.memory_space<vmem>>[vector<16xi32>], vector<16xf32>,
    %add3A_316 = arith.addi %add3A_304, %broadcast_in_dim3A_30 : vector<16xi32>
    tpu.vector_store_idx %arg7[%add3A_316], %gather3A_315 : memref<2048xf32, #tpu.memory_space<vmem>>[vector<16xi32>], vector<16xf32>,
    %mul3A_317 = arith.constant 4 : i32
    %mul3A_318 = arith.muli %mul3A_2, %mul3A_317 : i32
    %dma_start3A_319 = arith.constant 0 : i32
    %dma_start3A_320 = tpu.memref_slice %arg7[%dma_start3A_319] : memref<2048xf32, #tpu.memory_space<vmem>> -> memref<1024xf32, #tpu.memory_space<vmem>>
    %dma_start3A_321 = tpu.memref_slice %arg4[%mul3A_318] : memref<65536xf32, #tpu.memory_space<hbm>> -> memref<1024xf32, #tpu.memory_space<hbm>>
    %dma_start3A_322 = tpu.memref_slice %arg4[%mul3A_318] : memref<65536xf32, #tpu.memory_space<hbm>> -> memref<1024xf32, #tpu.memory_space<hbm>>
    %dma_start3A_323 = arith.constant 0 : i32
    %dma_start3A_324 = tpu.memref_slice %arg7[%dma_start3A_323] : memref<2048xf32, #tpu.memory_space<vmem>> -> memref<1024xf32, #tpu.memory_space<vmem>>
    tpu.enqueue_dma source(%dma_start3A_324 : memref<1024xf32, #tpu.memory_space<vmem>>) target(%dma_start3A_322 : memref<1024xf32, #tpu.memory_space<hbm>>) target_semaphore(%arg10 : memref<!tpu.dma_semaphore, #tpu.memory_space<semaphore_mem>>)
    %dma_wait3A_325 = arith.constant 256 : i32
    %dma_wait3A_326 = tpu.memref_slice %arg5[%dma_wait3A_325] : memref<512xi32, #tpu.memory_space<vmem>> -> memref<256xi32, #tpu.memory_space<vmem>>
    %dma_wait3A_327 = tpu.memref_slice %arg2[%add3A_9] : memref<16384xi32, #tpu.memory_space<hbm>> -> memref<256xi32, #tpu.memory_space<hbm>>
    %dma_wait3A_328 = arith.constant 256 : i32
    %dma_wait3A_329 = tpu.memref_slice %arg5[%dma_wait3A_328] : memref<512xi32, #tpu.memory_space<vmem>> -> memref<256xi32, #tpu.memory_space<vmem>>
    %dma_wait3A_330 = tpu.memref_slice %arg2[%add3A_9] : memref<16384xi32, #tpu.memory_space<hbm>> -> memref<256xi32, #tpu.memory_space<hbm>>
    tpu.wait_dma2 semaphore(%arg8 : memref<!tpu.dma_semaphore, #tpu.memory_space<semaphore_mem>>) src(%dma_wait3A_330 : memref<256xi32, #tpu.memory_space<hbm>>) dst(%dma_wait3A_329 : memref<256xi32, #tpu.memory_space<vmem>>)
    %get3A_331 = arith.constant 256 : index
    %get3A_332 = tpu.vector_load %arg5[%get3A_331] {strides = array<i32>} : memref<512xi32, #tpu.memory_space<vmem>>, vector<16xi32>,
    %mul3A_333 = arith.muli %get3A_332, %broadcast_in_dim3A_21 : vector<16xi32>
    %broadcast_in_dim3A_334 = arith.constant 1024 : i32
    %broadcast_in_dim3A_335 = vector.broadcast %broadcast_in_dim3A_334 : i32 to vector<16xi32>
    %add3A_336 = arith.addi %broadcast_in_dim3A_335, %mul3A_22 : vector<16xi32>
    %add3A_337 = arith.addi %mul3A_333, %broadcast_in_dim3A_24 : vector<16xi32>
    %gather3A_338 = tpu.vector_load_idx %arg6[%add3A_337] : memref<400xf32, #tpu.memory_space<vmem>>[vector<16xi32>], vector<16xf32>,
    %add3A_339 = arith.addi %add3A_336, %broadcast_in_dim3A_24 : vector<16xi32>
    tpu.vector_store_idx %arg7[%add3A_339], %gather3A_338 : memref<2048xf32, #tpu.memory_space<vmem>>[vector<16xi32>], vector<16xf32>,
    %add3A_340 = arith.addi %mul3A_333, %broadcast_in_dim3A_26 : vector<16xi32>
    %gather3A_341 = tpu.vector_load_idx %arg6[%add3A_340] : memref<400xf32, #tpu.memory_space<vmem>>[vector<16xi32>], vector<16xf32>,
    %add3A_342 = arith.addi %add3A_336, %broadcast_in_dim3A_26 : vector<16xi32>
    tpu.vector_store_idx %arg7[%add3A_342], %gather3A_341 : memref<2048xf32, #tpu.memory_space<vmem>>[vector<16xi32>], vector<16xf32>,
    %add3A_343 = arith.addi %mul3A_333, %broadcast_in_dim3A_28 : vector<16xi32>
    %gather3A_344 = tpu.vector_load_idx %arg6[%add3A_343] : memref<400xf32, #tpu.memory_space<vmem>>[vector<16xi32>], vector<16xf32>,
    %add3A_345 = arith.addi %add3A_336, %broadcast_in_dim3A_28 : vector<16xi32>
    tpu.vector_store_idx %arg7[%add3A_345], %gather3A_344 : memref<2048xf32, #tpu.memory_space<vmem>>[vector<16xi32>], vector<16xf32>,
    %add3A_346 = arith.addi %mul3A_333, %broadcast_in_dim3A_30 : vector<16xi32>
    %gather3A_347 = tpu.vector_load_idx %arg6[%add3A_346] : memref<400xf32, #tpu.memory_space<vmem>>[vector<16xi32>], vector<16xf32>,
    %add3A_348 = arith.addi %add3A_336, %broadcast_in_dim3A_30 : vector<16xi32>
    tpu.vector_store_idx %arg7[%add3A_348], %gather3A_347 : memref<2048xf32, #tpu.memory_space<vmem>>[vector<16xi32>], vector<16xf32>,
    %get3A_349 = arith.constant 272 : index
    %get3A_350 = tpu.vector_load %arg5[%get3A_349] {strides = array<i32>} : memref<512xi32, #tpu.memory_space<vmem>>, vector<16xi32>,
    %mul3A_351 = arith.muli %get3A_350, %broadcast_in_dim3A_21 : vector<16xi32>
    %broadcast_in_dim3A_352 = arith.constant 1088 : i32
    %broadcast_in_dim3A_353 = vector.broadcast %broadcast_in_dim3A_352 : i32 to vector<16xi32>
    %add3A_354 = arith.addi %broadcast_in_dim3A_353, %mul3A_22 : vector<16xi32>
    %add3A_355 = arith.addi %mul3A_351, %broadcast_in_dim3A_24 : vector<16xi32>
    %gather3A_356 = tpu.vector_load_idx %arg6[%add3A_355] : memref<400xf32, #tpu.memory_space<vmem>>[vector<16xi32>], vector<16xf32>,
    %add3A_357 = arith.addi %add3A_354, %broadcast_in_dim3A_24 : vector<16xi32>
    tpu.vector_store_idx %arg7[%add3A_357], %gather3A_356 : memref<2048xf32, #tpu.memory_space<vmem>>[vector<16xi32>], vector<16xf32>,
    %add3A_358 = arith.addi %mul3A_351, %broadcast_in_dim3A_26 : vector<16xi32>
    %gather3A_359 = tpu.vector_load_idx %arg6[%add3A_358] : memref<400xf32, #tpu.memory_space<vmem>>[vector<16xi32>], vector<16xf32>,
    %add3A_360 = arith.addi %add3A_354, %broadcast_in_dim3A_26 : vector<16xi32>
    tpu.vector_store_idx %arg7[%add3A_360], %gather3A_359 : memref<2048xf32, #tpu.memory_space<vmem>>[vector<16xi32>], vector<16xf32>,
    %add3A_361 = arith.addi %mul3A_351, %broadcast_in_dim3A_28 : vector<16xi32>
    %gather3A_362 = tpu.vector_load_idx %arg6[%add3A_361] : memref<400xf32, #tpu.memory_space<vmem>>[vector<16xi32>], vector<16xf32>,
    %add3A_363 = arith.addi %add3A_354, %broadcast_in_dim3A_28 : vector<16xi32>
    tpu.vector_store_idx %arg7[%add3A_363], %gather3A_362 : memref<2048xf32, #tpu.memory_space<vmem>>[vector<16xi32>], vector<16xf32>,
    %add3A_364 = arith.addi %mul3A_351, %broadcast_in_dim3A_30 : vector<16xi32>
    %gather3A_365 = tpu.vector_load_idx %arg6[%add3A_364] : memref<400xf32, #tpu.memory_space<vmem>>[vector<16xi32>], vector<16xf32>,
    %add3A_366 = arith.addi %add3A_354, %broadcast_in_dim3A_30 : vector<16xi32>
    tpu.vector_store_idx %arg7[%add3A_366], %gather3A_365 : memref<2048xf32, #tpu.memory_space<vmem>>[vector<16xi32>], vector<16xf32>,
    %get3A_367 = arith.constant 288 : index
    %get3A_368 = tpu.vector_load %arg5[%get3A_367] {strides = array<i32>} : memref<512xi32, #tpu.memory_space<vmem>>, vector<16xi32>,
    %mul3A_369 = arith.muli %get3A_368, %broadcast_in_dim3A_21 : vector<16xi32>
    %broadcast_in_dim3A_370 = arith.constant 1152 : i32
    %broadcast_in_dim3A_371 = vector.broadcast %broadcast_in_dim3A_370 : i32 to vector<16xi32>
    %add3A_372 = arith.addi %broadcast_in_dim3A_371, %mul3A_22 : vector<16xi32>
    %add3A_373 = arith.addi %mul3A_369, %broadcast_in_dim3A_24 : vector<16xi32>
    %gather3A_374 = tpu.vector_load_idx %arg6[%add3A_373] : memref<400xf32, #tpu.memory_space<vmem>>[vector<16xi32>], vector<16xf32>,
    %add3A_375 = arith.addi %add3A_372, %broadcast_in_dim3A_24 : vector<16xi32>
    tpu.vector_store_idx %arg7[%add3A_375], %gather3A_374 : memref<2048xf32, #tpu.memory_space<vmem>>[vector<16xi32>], vector<16xf32>,
    %add3A_376 = arith.addi %mul3A_369, %broadcast_in_dim3A_26 : vector<16xi32>
    %gather3A_377 = tpu.vector_load_idx %arg6[%add3A_376] : memref<400xf32, #tpu.memory_space<vmem>>[vector<16xi32>], vector<16xf32>,
    %add3A_378 = arith.addi %add3A_372, %broadcast_in_dim3A_26 : vector<16xi32>
    tpu.vector_store_idx %arg7[%add3A_378], %gather3A_377 : memref<2048xf32, #tpu.memory_space<vmem>>[vector<16xi32>], vector<16xf32>,
    %add3A_379 = arith.addi %mul3A_369, %broadcast_in_dim3A_28 : vector<16xi32>
    %gather3A_380 = tpu.vector_load_idx %arg6[%add3A_379] : memref<400xf32, #tpu.memory_space<vmem>>[vector<16xi32>], vector<16xf32>,
    %add3A_381 = arith.addi %add3A_372, %broadcast_in_dim3A_28 : vector<16xi32>
    tpu.vector_store_idx %arg7[%add3A_381], %gather3A_380 : memref<2048xf32, #tpu.memory_space<vmem>>[vector<16xi32>], vector<16xf32>,
    %add3A_382 = arith.addi %mul3A_369, %broadcast_in_dim3A_30 : vector<16xi32>
    %gather3A_383 = tpu.vector_load_idx %arg6[%add3A_382] : memref<400xf32, #tpu.memory_space<vmem>>[vector<16xi32>], vector<16xf32>,
    %add3A_384 = arith.addi %add3A_372, %broadcast_in_dim3A_30 : vector<16xi32>
    tpu.vector_store_idx %arg7[%add3A_384], %gather3A_383 : memref<2048xf32, #tpu.memory_space<vmem>>[vector<16xi32>], vector<16xf32>,
    %get3A_385 = arith.constant 304 : index
    %get3A_386 = tpu.vector_load %arg5[%get3A_385] {strides = array<i32>} : memref<512xi32, #tpu.memory_space<vmem>>, vector<16xi32>,
    %mul3A_387 = arith.muli %get3A_386, %broadcast_in_dim3A_21 : vector<16xi32>
    %broadcast_in_dim3A_388 = arith.constant 1216 : i32
    %broadcast_in_dim3A_389 = vector.broadcast %broadcast_in_dim3A_388 : i32 to vector<16xi32>
    %add3A_390 = arith.addi %broadcast_in_dim3A_389, %mul3A_22 : vector<16xi32>
    %add3A_391 = arith.addi %mul3A_387, %broadcast_in_dim3A_24 : vector<16xi32>
    %gather3A_392 = tpu.vector_load_idx %arg6[%add3A_391] : memref<400xf32, #tpu.memory_space<vmem>>[vector<16xi32>], vector<16xf32>,
    %add3A_393 = arith.addi %add3A_390, %broadcast_in_dim3A_24 : vector<16xi32>
    tpu.vector_store_idx %arg7[%add3A_393], %gather3A_392 : memref<2048xf32, #tpu.memory_space<vmem>>[vector<16xi32>], vector<16xf32>,
    %add3A_394 = arith.addi %mul3A_387, %broadcast_in_dim3A_26 : vector<16xi32>
    %gather3A_395 = tpu.vector_load_idx %arg6[%add3A_394] : memref<400xf32, #tpu.memory_space<vmem>>[vector<16xi32>], vector<16xf32>,
    %add3A_396 = arith.addi %add3A_390, %broadcast_in_dim3A_26 : vector<16xi32>
    tpu.vector_store_idx %arg7[%add3A_396], %gather3A_395 : memref<2048xf32, #tpu.memory_space<vmem>>[vector<16xi32>], vector<16xf32>,
    %add3A_397 = arith.addi %mul3A_387, %broadcast_in_dim3A_28 : vector<16xi32>
    %gather3A_398 = tpu.vector_load_idx %arg6[%add3A_397] : memref<400xf32, #tpu.memory_space<vmem>>[vector<16xi32>], vector<16xf32>,
    %add3A_399 = arith.addi %add3A_390, %broadcast_in_dim3A_28 : vector<16xi32>
    tpu.vector_store_idx %arg7[%add3A_399], %gather3A_398 : memref<2048xf32, #tpu.memory_space<vmem>>[vector<16xi32>], vector<16xf32>,
    %add3A_400 = arith.addi %mul3A_387, %broadcast_in_dim3A_30 : vector<16xi32>
    %gather3A_401 = tpu.vector_load_idx %arg6[%add3A_400] : memref<400xf32, #tpu.memory_space<vmem>>[vector<16xi32>], vector<16xf32>,
    %add3A_402 = arith.addi %add3A_390, %broadcast_in_dim3A_30 : vector<16xi32>
    tpu.vector_store_idx %arg7[%add3A_402], %gather3A_401 : memref<2048xf32, #tpu.memory_space<vmem>>[vector<16xi32>], vector<16xf32>,
    %get3A_403 = arith.constant 320 : index
    %get3A_404 = tpu.vector_load %arg5[%get3A_403] {strides = array<i32>} : memref<512xi32, #tpu.memory_space<vmem>>, vector<16xi32>,
    %mul3A_405 = arith.muli %get3A_404, %broadcast_in_dim3A_21 : vector<16xi32>
    %broadcast_in_dim3A_406 = arith.constant 1280 : i32
    %broadcast_in_dim3A_407 = vector.broadcast %broadcast_in_dim3A_406 : i32 to vector<16xi32>
    %add3A_408 = arith.addi %broadcast_in_dim3A_407, %mul3A_22 : vector<16xi32>
    %add3A_409 = arith.addi %mul3A_405, %broadcast_in_dim3A_24 : vector<16xi32>
    %gather3A_410 = tpu.vector_load_idx %arg6[%add3A_409] : memref<400xf32, #tpu.memory_space<vmem>>[vector<16xi32>], vector<16xf32>,
    %add3A_411 = arith.addi %add3A_408, %broadcast_in_dim3A_24 : vector<16xi32>
    tpu.vector_store_idx %arg7[%add3A_411], %gather3A_410 : memref<2048xf32, #tpu.memory_space<vmem>>[vector<16xi32>], vector<16xf32>,
    %add3A_412 = arith.addi %mul3A_405, %broadcast_in_dim3A_26 : vector<16xi32>
    %gather3A_413 = tpu.vector_load_idx %arg6[%add3A_412] : memref<400xf32, #tpu.memory_space<vmem>>[vector<16xi32>], vector<16xf32>,
    %add3A_414 = arith.addi %add3A_408, %broadcast_in_dim3A_26 : vector<16xi32>
    tpu.vector_store_idx %arg7[%add3A_414], %gather3A_413 : memref<2048xf32, #tpu.memory_space<vmem>>[vector<16xi32>], vector<16xf32>,
    %add3A_415 = arith.addi %mul3A_405, %broadcast_in_dim3A_28 : vector<16xi32>
    %gather3A_416 = tpu.vector_load_idx %arg6[%add3A_415] : memref<400xf32, #tpu.memory_space<vmem>>[vector<16xi32>], vector<16xf32>,
    %add3A_417 = arith.addi %add3A_408, %broadcast_in_dim3A_28 : vector<16xi32>
    tpu.vector_store_idx %arg7[%add3A_417], %gather3A_416 : memref<2048xf32, #tpu.memory_space<vmem>>[vector<16xi32>], vector<16xf32>,
    %add3A_418 = arith.addi %mul3A_405, %broadcast_in_dim3A_30 : vector<16xi32>
    %gather3A_419 = tpu.vector_load_idx %arg6[%add3A_418] : memref<400xf32, #tpu.memory_space<vmem>>[vector<16xi32>], vector<16xf32>,
    %add3A_420 = arith.addi %add3A_408, %broadcast_in_dim3A_30 : vector<16xi32>
    tpu.vector_store_idx %arg7[%add3A_420], %gather3A_419 : memref<2048xf32, #tpu.memory_space<vmem>>[vector<16xi32>], vector<16xf32>,
    %get3A_421 = arith.constant 336 : index
    %get3A_422 = tpu.vector_load %arg5[%get3A_421] {strides = array<i32>} : memref<512xi32, #tpu.memory_space<vmem>>, vector<16xi32>,
    %mul3A_423 = arith.muli %get3A_422, %broadcast_in_dim3A_21 : vector<16xi32>
    %broadcast_in_dim3A_424 = arith.constant 1344 : i32
    %broadcast_in_dim3A_425 = vector.broadcast %broadcast_in_dim3A_424 : i32 to vector<16xi32>
    %add3A_426 = arith.addi %broadcast_in_dim3A_425, %mul3A_22 : vector<16xi32>
    %add3A_427 = arith.addi %mul3A_423, %broadcast_in_dim3A_24 : vector<16xi32>
    %gather3A_428 = tpu.vector_load_idx %arg6[%add3A_427] : memref<400xf32, #tpu.memory_space<vmem>>[vector<16xi32>], vector<16xf32>,
    %add3A_429 = arith.addi %add3A_426, %broadcast_in_dim3A_24 : vector<16xi32>
    tpu.vector_store_idx %arg7[%add3A_429], %gather3A_428 : memref<2048xf32, #tpu.memory_space<vmem>>[vector<16xi32>], vector<16xf32>,
    %add3A_430 = arith.addi %mul3A_423, %broadcast_in_dim3A_26 : vector<16xi32>
    %gather3A_431 = tpu.vector_load_idx %arg6[%add3A_430] : memref<400xf32, #tpu.memory_space<vmem>>[vector<16xi32>], vector<16xf32>,
    %add3A_432 = arith.addi %add3A_426, %broadcast_in_dim3A_26 : vector<16xi32>
    tpu.vector_store_idx %arg7[%add3A_432], %gather3A_431 : memref<2048xf32, #tpu.memory_space<vmem>>[vector<16xi32>], vector<16xf32>,
    %add3A_433 = arith.addi %mul3A_423, %broadcast_in_dim3A_28 : vector<16xi32>
    %gather3A_434 = tpu.vector_load_idx %arg6[%add3A_433] : memref<400xf32, #tpu.memory_space<vmem>>[vector<16xi32>], vector<16xf32>,
    %add3A_435 = arith.addi %add3A_426, %broadcast_in_dim3A_28 : vector<16xi32>
    tpu.vector_store_idx %arg7[%add3A_435], %gather3A_434 : memref<2048xf32, #tpu.memory_space<vmem>>[vector<16xi32>], vector<16xf32>,
    %add3A_436 = arith.addi %mul3A_423, %broadcast_in_dim3A_30 : vector<16xi32>
    %gather3A_437 = tpu.vector_load_idx %arg6[%add3A_436] : memref<400xf32, #tpu.memory_space<vmem>>[vector<16xi32>], vector<16xf32>,
    %add3A_438 = arith.addi %add3A_426, %broadcast_in_dim3A_30 : vector<16xi32>
    tpu.vector_store_idx %arg7[%add3A_438], %gather3A_437 : memref<2048xf32, #tpu.memory_space<vmem>>[vector<16xi32>], vector<16xf32>,
    %get3A_439 = arith.constant 352 : index
    %get3A_440 = tpu.vector_load %arg5[%get3A_439] {strides = array<i32>} : memref<512xi32, #tpu.memory_space<vmem>>, vector<16xi32>,
    %mul3A_441 = arith.muli %get3A_440, %broadcast_in_dim3A_21 : vector<16xi32>
    %broadcast_in_dim3A_442 = arith.constant 1408 : i32
    %broadcast_in_dim3A_443 = vector.broadcast %broadcast_in_dim3A_442 : i32 to vector<16xi32>
    %add3A_444 = arith.addi %broadcast_in_dim3A_443, %mul3A_22 : vector<16xi32>
    %add3A_445 = arith.addi %mul3A_441, %broadcast_in_dim3A_24 : vector<16xi32>
    %gather3A_446 = tpu.vector_load_idx %arg6[%add3A_445] : memref<400xf32, #tpu.memory_space<vmem>>[vector<16xi32>], vector<16xf32>,
    %add3A_447 = arith.addi %add3A_444, %broadcast_in_dim3A_24 : vector<16xi32>
    tpu.vector_store_idx %arg7[%add3A_447], %gather3A_446 : memref<2048xf32, #tpu.memory_space<vmem>>[vector<16xi32>], vector<16xf32>,
    %add3A_448 = arith.addi %mul3A_441, %broadcast_in_dim3A_26 : vector<16xi32>
    %gather3A_449 = tpu.vector_load_idx %arg6[%add3A_448] : memref<400xf32, #tpu.memory_space<vmem>>[vector<16xi32>], vector<16xf32>,
    %add3A_450 = arith.addi %add3A_444, %broadcast_in_dim3A_26 : vector<16xi32>
    tpu.vector_store_idx %arg7[%add3A_450], %gather3A_449 : memref<2048xf32, #tpu.memory_space<vmem>>[vector<16xi32>], vector<16xf32>,
    %add3A_451 = arith.addi %mul3A_441, %broadcast_in_dim3A_28 : vector<16xi32>
    %gather3A_452 = tpu.vector_load_idx %arg6[%add3A_451] : memref<400xf32, #tpu.memory_space<vmem>>[vector<16xi32>], vector<16xf32>,
    %add3A_453 = arith.addi %add3A_444, %broadcast_in_dim3A_28 : vector<16xi32>
    tpu.vector_store_idx %arg7[%add3A_453], %gather3A_452 : memref<2048xf32, #tpu.memory_space<vmem>>[vector<16xi32>], vector<16xf32>,
    %add3A_454 = arith.addi %mul3A_441, %broadcast_in_dim3A_30 : vector<16xi32>
    %gather3A_455 = tpu.vector_load_idx %arg6[%add3A_454] : memref<400xf32, #tpu.memory_space<vmem>>[vector<16xi32>], vector<16xf32>,
    %add3A_456 = arith.addi %add3A_444, %broadcast_in_dim3A_30 : vector<16xi32>
    tpu.vector_store_idx %arg7[%add3A_456], %gather3A_455 : memref<2048xf32, #tpu.memory_space<vmem>>[vector<16xi32>], vector<16xf32>,
    %get3A_457 = arith.constant 368 : index
    %get3A_458 = tpu.vector_load %arg5[%get3A_457] {strides = array<i32>} : memref<512xi32, #tpu.memory_space<vmem>>, vector<16xi32>,
    %mul3A_459 = arith.muli %get3A_458, %broadcast_in_dim3A_21 : vector<16xi32>
    %broadcast_in_dim3A_460 = arith.constant 1472 : i32
    %broadcast_in_dim3A_461 = vector.broadcast %broadcast_in_dim3A_460 : i32 to vector<16xi32>
    %add3A_462 = arith.addi %broadcast_in_dim3A_461, %mul3A_22 : vector<16xi32>
    %add3A_463 = arith.addi %mul3A_459, %broadcast_in_dim3A_24 : vector<16xi32>
    %gather3A_464 = tpu.vector_load_idx %arg6[%add3A_463] : memref<400xf32, #tpu.memory_space<vmem>>[vector<16xi32>], vector<16xf32>,
    %add3A_465 = arith.addi %add3A_462, %broadcast_in_dim3A_24 : vector<16xi32>
    tpu.vector_store_idx %arg7[%add3A_465], %gather3A_464 : memref<2048xf32, #tpu.memory_space<vmem>>[vector<16xi32>], vector<16xf32>,
    %add3A_466 = arith.addi %mul3A_459, %broadcast_in_dim3A_26 : vector<16xi32>
    %gather3A_467 = tpu.vector_load_idx %arg6[%add3A_466] : memref<400xf32, #tpu.memory_space<vmem>>[vector<16xi32>], vector<16xf32>,
    %add3A_468 = arith.addi %add3A_462, %broadcast_in_dim3A_26 : vector<16xi32>
    tpu.vector_store_idx %arg7[%add3A_468], %gather3A_467 : memref<2048xf32, #tpu.memory_space<vmem>>[vector<16xi32>], vector<16xf32>,
    %add3A_469 = arith.addi %mul3A_459, %broadcast_in_dim3A_28 : vector<16xi32>
    %gather3A_470 = tpu.vector_load_idx %arg6[%add3A_469] : memref<400xf32, #tpu.memory_space<vmem>>[vector<16xi32>], vector<16xf32>,
    %add3A_471 = arith.addi %add3A_462, %broadcast_in_dim3A_28 : vector<16xi32>
    tpu.vector_store_idx %arg7[%add3A_471], %gather3A_470 : memref<2048xf32, #tpu.memory_space<vmem>>[vector<16xi32>], vector<16xf32>,
    %add3A_472 = arith.addi %mul3A_459, %broadcast_in_dim3A_30 : vector<16xi32>
    %gather3A_473 = tpu.vector_load_idx %arg6[%add3A_472] : memref<400xf32, #tpu.memory_space<vmem>>[vector<16xi32>], vector<16xf32>,
    %add3A_474 = arith.addi %add3A_462, %broadcast_in_dim3A_30 : vector<16xi32>
    tpu.vector_store_idx %arg7[%add3A_474], %gather3A_473 : memref<2048xf32, #tpu.memory_space<vmem>>[vector<16xi32>], vector<16xf32>,
    %get3A_475 = arith.constant 384 : index
    %get3A_476 = tpu.vector_load %arg5[%get3A_475] {strides = array<i32>} : memref<512xi32, #tpu.memory_space<vmem>>, vector<16xi32>,
    %mul3A_477 = arith.muli %get3A_476, %broadcast_in_dim3A_21 : vector<16xi32>
    %broadcast_in_dim3A_478 = arith.constant 1536 : i32
    %broadcast_in_dim3A_479 = vector.broadcast %broadcast_in_dim3A_478 : i32 to vector<16xi32>
    %add3A_480 = arith.addi %broadcast_in_dim3A_479, %mul3A_22 : vector<16xi32>
    %add3A_481 = arith.addi %mul3A_477, %broadcast_in_dim3A_24 : vector<16xi32>
    %gather3A_482 = tpu.vector_load_idx %arg6[%add3A_481] : memref<400xf32, #tpu.memory_space<vmem>>[vector<16xi32>], vector<16xf32>,
    %add3A_483 = arith.addi %add3A_480, %broadcast_in_dim3A_24 : vector<16xi32>
    tpu.vector_store_idx %arg7[%add3A_483], %gather3A_482 : memref<2048xf32, #tpu.memory_space<vmem>>[vector<16xi32>], vector<16xf32>,
    %add3A_484 = arith.addi %mul3A_477, %broadcast_in_dim3A_26 : vector<16xi32>
    %gather3A_485 = tpu.vector_load_idx %arg6[%add3A_484] : memref<400xf32, #tpu.memory_space<vmem>>[vector<16xi32>], vector<16xf32>,
    %add3A_486 = arith.addi %add3A_480, %broadcast_in_dim3A_26 : vector<16xi32>
    tpu.vector_store_idx %arg7[%add3A_486], %gather3A_485 : memref<2048xf32, #tpu.memory_space<vmem>>[vector<16xi32>], vector<16xf32>,
    %add3A_487 = arith.addi %mul3A_477, %broadcast_in_dim3A_28 : vector<16xi32>
    %gather3A_488 = tpu.vector_load_idx %arg6[%add3A_487] : memref<400xf32, #tpu.memory_space<vmem>>[vector<16xi32>], vector<16xf32>,
    %add3A_489 = arith.addi %add3A_480, %broadcast_in_dim3A_28 : vector<16xi32>
    tpu.vector_store_idx %arg7[%add3A_489], %gather3A_488 : memref<2048xf32, #tpu.memory_space<vmem>>[vector<16xi32>], vector<16xf32>,
    %add3A_490 = arith.addi %mul3A_477, %broadcast_in_dim3A_30 : vector<16xi32>
    %gather3A_491 = tpu.vector_load_idx %arg6[%add3A_490] : memref<400xf32, #tpu.memory_space<vmem>>[vector<16xi32>], vector<16xf32>,
    %add3A_492 = arith.addi %add3A_480, %broadcast_in_dim3A_30 : vector<16xi32>
    tpu.vector_store_idx %arg7[%add3A_492], %gather3A_491 : memref<2048xf32, #tpu.memory_space<vmem>>[vector<16xi32>], vector<16xf32>,
    %get3A_493 = arith.constant 400 : index
    %get3A_494 = tpu.vector_load %arg5[%get3A_493] {strides = array<i32>} : memref<512xi32, #tpu.memory_space<vmem>>, vector<16xi32>,
    %mul3A_495 = arith.muli %get3A_494, %broadcast_in_dim3A_21 : vector<16xi32>
    %broadcast_in_dim3A_496 = arith.constant 1600 : i32
    %broadcast_in_dim3A_497 = vector.broadcast %broadcast_in_dim3A_496 : i32 to vector<16xi32>
    %add3A_498 = arith.addi %broadcast_in_dim3A_497, %mul3A_22 : vector<16xi32>
    %add3A_499 = arith.addi %mul3A_495, %broadcast_in_dim3A_24 : vector<16xi32>
    %gather3A_500 = tpu.vector_load_idx %arg6[%add3A_499] : memref<400xf32, #tpu.memory_space<vmem>>[vector<16xi32>], vector<16xf32>,
    %add3A_501 = arith.addi %add3A_498, %broadcast_in_dim3A_24 : vector<16xi32>
    tpu.vector_store_idx %arg7[%add3A_501], %gather3A_500 : memref<2048xf32, #tpu.memory_space<vmem>>[vector<16xi32>], vector<16xf32>,
    %add3A_502 = arith.addi %mul3A_495, %broadcast_in_dim3A_26 : vector<16xi32>
    %gather3A_503 = tpu.vector_load_idx %arg6[%add3A_502] : memref<400xf32, #tpu.memory_space<vmem>>[vector<16xi32>], vector<16xf32>,
    %add3A_504 = arith.addi %add3A_498, %broadcast_in_dim3A_26 : vector<16xi32>
    tpu.vector_store_idx %arg7[%add3A_504], %gather3A_503 : memref<2048xf32, #tpu.memory_space<vmem>>[vector<16xi32>], vector<16xf32>,
    %add3A_505 = arith.addi %mul3A_495, %broadcast_in_dim3A_28 : vector<16xi32>
    %gather3A_506 = tpu.vector_load_idx %arg6[%add3A_505] : memref<400xf32, #tpu.memory_space<vmem>>[vector<16xi32>], vector<16xf32>,
    %add3A_507 = arith.addi %add3A_498, %broadcast_in_dim3A_28 : vector<16xi32>
    tpu.vector_store_idx %arg7[%add3A_507], %gather3A_506 : memref<2048xf32, #tpu.memory_space<vmem>>[vector<16xi32>], vector<16xf32>,
    %add3A_508 = arith.addi %mul3A_495, %broadcast_in_dim3A_30 : vector<16xi32>
    %gather3A_509 = tpu.vector_load_idx %arg6[%add3A_508] : memref<400xf32, #tpu.memory_space<vmem>>[vector<16xi32>], vector<16xf32>,
    %add3A_510 = arith.addi %add3A_498, %broadcast_in_dim3A_30 : vector<16xi32>
    tpu.vector_store_idx %arg7[%add3A_510], %gather3A_509 : memref<2048xf32, #tpu.memory_space<vmem>>[vector<16xi32>], vector<16xf32>,
    %get3A_511 = arith.constant 416 : index
    %get3A_512 = tpu.vector_load %arg5[%get3A_511] {strides = array<i32>} : memref<512xi32, #tpu.memory_space<vmem>>, vector<16xi32>,
    %mul3A_513 = arith.muli %get3A_512, %broadcast_in_dim3A_21 : vector<16xi32>
    %broadcast_in_dim3A_514 = arith.constant 1664 : i32
    %broadcast_in_dim3A_515 = vector.broadcast %broadcast_in_dim3A_514 : i32 to vector<16xi32>
    %add3A_516 = arith.addi %broadcast_in_dim3A_515, %mul3A_22 : vector<16xi32>
    %add3A_517 = arith.addi %mul3A_513, %broadcast_in_dim3A_24 : vector<16xi32>
    %gather3A_518 = tpu.vector_load_idx %arg6[%add3A_517] : memref<400xf32, #tpu.memory_space<vmem>>[vector<16xi32>], vector<16xf32>,
    %add3A_519 = arith.addi %add3A_516, %broadcast_in_dim3A_24 : vector<16xi32>
    tpu.vector_store_idx %arg7[%add3A_519], %gather3A_518 : memref<2048xf32, #tpu.memory_space<vmem>>[vector<16xi32>], vector<16xf32>,
    %add3A_520 = arith.addi %mul3A_513, %broadcast_in_dim3A_26 : vector<16xi32>
    %gather3A_521 = tpu.vector_load_idx %arg6[%add3A_520] : memref<400xf32, #tpu.memory_space<vmem>>[vector<16xi32>], vector<16xf32>,
    %add3A_522 = arith.addi %add3A_516, %broadcast_in_dim3A_26 : vector<16xi32>
    tpu.vector_store_idx %arg7[%add3A_522], %gather3A_521 : memref<2048xf32, #tpu.memory_space<vmem>>[vector<16xi32>], vector<16xf32>,
    %add3A_523 = arith.addi %mul3A_513, %broadcast_in_dim3A_28 : vector<16xi32>
    %gather3A_524 = tpu.vector_load_idx %arg6[%add3A_523] : memref<400xf32, #tpu.memory_space<vmem>>[vector<16xi32>], vector<16xf32>,
    %add3A_525 = arith.addi %add3A_516, %broadcast_in_dim3A_28 : vector<16xi32>
    tpu.vector_store_idx %arg7[%add3A_525], %gather3A_524 : memref<2048xf32, #tpu.memory_space<vmem>>[vector<16xi32>], vector<16xf32>,
    %add3A_526 = arith.addi %mul3A_513, %broadcast_in_dim3A_30 : vector<16xi32>
    %gather3A_527 = tpu.vector_load_idx %arg6[%add3A_526] : memref<400xf32, #tpu.memory_space<vmem>>[vector<16xi32>], vector<16xf32>,
    %add3A_528 = arith.addi %add3A_516, %broadcast_in_dim3A_30 : vector<16xi32>
    tpu.vector_store_idx %arg7[%add3A_528], %gather3A_527 : memref<2048xf32, #tpu.memory_space<vmem>>[vector<16xi32>], vector<16xf32>,
    %get3A_529 = arith.constant 432 : index
    %get3A_530 = tpu.vector_load %arg5[%get3A_529] {strides = array<i32>} : memref<512xi32, #tpu.memory_space<vmem>>, vector<16xi32>,
    %mul3A_531 = arith.muli %get3A_530, %broadcast_in_dim3A_21 : vector<16xi32>
    %broadcast_in_dim3A_532 = arith.constant 1728 : i32
    %broadcast_in_dim3A_533 = vector.broadcast %broadcast_in_dim3A_532 : i32 to vector<16xi32>
    %add3A_534 = arith.addi %broadcast_in_dim3A_533, %mul3A_22 : vector<16xi32>
    %add3A_535 = arith.addi %mul3A_531, %broadcast_in_dim3A_24 : vector<16xi32>
    %gather3A_536 = tpu.vector_load_idx %arg6[%add3A_535] : memref<400xf32, #tpu.memory_space<vmem>>[vector<16xi32>], vector<16xf32>,
    %add3A_537 = arith.addi %add3A_534, %broadcast_in_dim3A_24 : vector<16xi32>
    tpu.vector_store_idx %arg7[%add3A_537], %gather3A_536 : memref<2048xf32, #tpu.memory_space<vmem>>[vector<16xi32>], vector<16xf32>,
    %add3A_538 = arith.addi %mul3A_531, %broadcast_in_dim3A_26 : vector<16xi32>
    %gather3A_539 = tpu.vector_load_idx %arg6[%add3A_538] : memref<400xf32, #tpu.memory_space<vmem>>[vector<16xi32>], vector<16xf32>,
    %add3A_540 = arith.addi %add3A_534, %broadcast_in_dim3A_26 : vector<16xi32>
    tpu.vector_store_idx %arg7[%add3A_540], %gather3A_539 : memref<2048xf32, #tpu.memory_space<vmem>>[vector<16xi32>], vector<16xf32>,
    %add3A_541 = arith.addi %mul3A_531, %broadcast_in_dim3A_28 : vector<16xi32>
    %gather3A_542 = tpu.vector_load_idx %arg6[%add3A_541] : memref<400xf32, #tpu.memory_space<vmem>>[vector<16xi32>], vector<16xf32>,
    %add3A_543 = arith.addi %add3A_534, %broadcast_in_dim3A_28 : vector<16xi32>
    tpu.vector_store_idx %arg7[%add3A_543], %gather3A_542 : memref<2048xf32, #tpu.memory_space<vmem>>[vector<16xi32>], vector<16xf32>,
    %add3A_544 = arith.addi %mul3A_531, %broadcast_in_dim3A_30 : vector<16xi32>
    %gather3A_545 = tpu.vector_load_idx %arg6[%add3A_544] : memref<400xf32, #tpu.memory_space<vmem>>[vector<16xi32>], vector<16xf32>,
    %add3A_546 = arith.addi %add3A_534, %broadcast_in_dim3A_30 : vector<16xi32>
    tpu.vector_store_idx %arg7[%add3A_546], %gather3A_545 : memref<2048xf32, #tpu.memory_space<vmem>>[vector<16xi32>], vector<16xf32>,
    %get3A_547 = arith.constant 448 : index
    %get3A_548 = tpu.vector_load %arg5[%get3A_547] {strides = array<i32>} : memref<512xi32, #tpu.memory_space<vmem>>, vector<16xi32>,
    %mul3A_549 = arith.muli %get3A_548, %broadcast_in_dim3A_21 : vector<16xi32>
    %broadcast_in_dim3A_550 = arith.constant 1792 : i32
    %broadcast_in_dim3A_551 = vector.broadcast %broadcast_in_dim3A_550 : i32 to vector<16xi32>
    %add3A_552 = arith.addi %broadcast_in_dim3A_551, %mul3A_22 : vector<16xi32>
    %add3A_553 = arith.addi %mul3A_549, %broadcast_in_dim3A_24 : vector<16xi32>
    %gather3A_554 = tpu.vector_load_idx %arg6[%add3A_553] : memref<400xf32, #tpu.memory_space<vmem>>[vector<16xi32>], vector<16xf32>,
    %add3A_555 = arith.addi %add3A_552, %broadcast_in_dim3A_24 : vector<16xi32>
    tpu.vector_store_idx %arg7[%add3A_555], %gather3A_554 : memref<2048xf32, #tpu.memory_space<vmem>>[vector<16xi32>], vector<16xf32>,
    %add3A_556 = arith.addi %mul3A_549, %broadcast_in_dim3A_26 : vector<16xi32>
    %gather3A_557 = tpu.vector_load_idx %arg6[%add3A_556] : memref<400xf32, #tpu.memory_space<vmem>>[vector<16xi32>], vector<16xf32>,
    %add3A_558 = arith.addi %add3A_552, %broadcast_in_dim3A_26 : vector<16xi32>
    tpu.vector_store_idx %arg7[%add3A_558], %gather3A_557 : memref<2048xf32, #tpu.memory_space<vmem>>[vector<16xi32>], vector<16xf32>,
    %add3A_559 = arith.addi %mul3A_549, %broadcast_in_dim3A_28 : vector<16xi32>
    %gather3A_560 = tpu.vector_load_idx %arg6[%add3A_559] : memref<400xf32, #tpu.memory_space<vmem>>[vector<16xi32>], vector<16xf32>,
    %add3A_561 = arith.addi %add3A_552, %broadcast_in_dim3A_28 : vector<16xi32>
    tpu.vector_store_idx %arg7[%add3A_561], %gather3A_560 : memref<2048xf32, #tpu.memory_space<vmem>>[vector<16xi32>], vector<16xf32>,
    %add3A_562 = arith.addi %mul3A_549, %broadcast_in_dim3A_30 : vector<16xi32>
    %gather3A_563 = tpu.vector_load_idx %arg6[%add3A_562] : memref<400xf32, #tpu.memory_space<vmem>>[vector<16xi32>], vector<16xf32>,
    %add3A_564 = arith.addi %add3A_552, %broadcast_in_dim3A_30 : vector<16xi32>
    tpu.vector_store_idx %arg7[%add3A_564], %gather3A_563 : memref<2048xf32, #tpu.memory_space<vmem>>[vector<16xi32>], vector<16xf32>,
    %get3A_565 = arith.constant 464 : index
    %get3A_566 = tpu.vector_load %arg5[%get3A_565] {strides = array<i32>} : memref<512xi32, #tpu.memory_space<vmem>>, vector<16xi32>,
    %mul3A_567 = arith.muli %get3A_566, %broadcast_in_dim3A_21 : vector<16xi32>
    %broadcast_in_dim3A_568 = arith.constant 1856 : i32
    %broadcast_in_dim3A_569 = vector.broadcast %broadcast_in_dim3A_568 : i32 to vector<16xi32>
    %add3A_570 = arith.addi %broadcast_in_dim3A_569, %mul3A_22 : vector<16xi32>
    %add3A_571 = arith.addi %mul3A_567, %broadcast_in_dim3A_24 : vector<16xi32>
    %gather3A_572 = tpu.vector_load_idx %arg6[%add3A_571] : memref<400xf32, #tpu.memory_space<vmem>>[vector<16xi32>], vector<16xf32>,
    %add3A_573 = arith.addi %add3A_570, %broadcast_in_dim3A_24 : vector<16xi32>
    tpu.vector_store_idx %arg7[%add3A_573], %gather3A_572 : memref<2048xf32, #tpu.memory_space<vmem>>[vector<16xi32>], vector<16xf32>,
    %add3A_574 = arith.addi %mul3A_567, %broadcast_in_dim3A_26 : vector<16xi32>
    %gather3A_575 = tpu.vector_load_idx %arg6[%add3A_574] : memref<400xf32, #tpu.memory_space<vmem>>[vector<16xi32>], vector<16xf32>,
    %add3A_576 = arith.addi %add3A_570, %broadcast_in_dim3A_26 : vector<16xi32>
    tpu.vector_store_idx %arg7[%add3A_576], %gather3A_575 : memref<2048xf32, #tpu.memory_space<vmem>>[vector<16xi32>], vector<16xf32>,
    %add3A_577 = arith.addi %mul3A_567, %broadcast_in_dim3A_28 : vector<16xi32>
    %gather3A_578 = tpu.vector_load_idx %arg6[%add3A_577] : memref<400xf32, #tpu.memory_space<vmem>>[vector<16xi32>], vector<16xf32>,
    %add3A_579 = arith.addi %add3A_570, %broadcast_in_dim3A_28 : vector<16xi32>
    tpu.vector_store_idx %arg7[%add3A_579], %gather3A_578 : memref<2048xf32, #tpu.memory_space<vmem>>[vector<16xi32>], vector<16xf32>,
    %add3A_580 = arith.addi %mul3A_567, %broadcast_in_dim3A_30 : vector<16xi32>
    %gather3A_581 = tpu.vector_load_idx %arg6[%add3A_580] : memref<400xf32, #tpu.memory_space<vmem>>[vector<16xi32>], vector<16xf32>,
    %add3A_582 = arith.addi %add3A_570, %broadcast_in_dim3A_30 : vector<16xi32>
    tpu.vector_store_idx %arg7[%add3A_582], %gather3A_581 : memref<2048xf32, #tpu.memory_space<vmem>>[vector<16xi32>], vector<16xf32>,
    %get3A_583 = arith.constant 480 : index
    %get3A_584 = tpu.vector_load %arg5[%get3A_583] {strides = array<i32>} : memref<512xi32, #tpu.memory_space<vmem>>, vector<16xi32>,
    %mul3A_585 = arith.muli %get3A_584, %broadcast_in_dim3A_21 : vector<16xi32>
    %broadcast_in_dim3A_586 = arith.constant 1920 : i32
    %broadcast_in_dim3A_587 = vector.broadcast %broadcast_in_dim3A_586 : i32 to vector<16xi32>
    %add3A_588 = arith.addi %broadcast_in_dim3A_587, %mul3A_22 : vector<16xi32>
    %add3A_589 = arith.addi %mul3A_585, %broadcast_in_dim3A_24 : vector<16xi32>
    %gather3A_590 = tpu.vector_load_idx %arg6[%add3A_589] : memref<400xf32, #tpu.memory_space<vmem>>[vector<16xi32>], vector<16xf32>,
    %add3A_591 = arith.addi %add3A_588, %broadcast_in_dim3A_24 : vector<16xi32>
    tpu.vector_store_idx %arg7[%add3A_591], %gather3A_590 : memref<2048xf32, #tpu.memory_space<vmem>>[vector<16xi32>], vector<16xf32>,
    %add3A_592 = arith.addi %mul3A_585, %broadcast_in_dim3A_26 : vector<16xi32>
    %gather3A_593 = tpu.vector_load_idx %arg6[%add3A_592] : memref<400xf32, #tpu.memory_space<vmem>>[vector<16xi32>], vector<16xf32>,
    %add3A_594 = arith.addi %add3A_588, %broadcast_in_dim3A_26 : vector<16xi32>
    tpu.vector_store_idx %arg7[%add3A_594], %gather3A_593 : memref<2048xf32, #tpu.memory_space<vmem>>[vector<16xi32>], vector<16xf32>,
    %add3A_595 = arith.addi %mul3A_585, %broadcast_in_dim3A_28 : vector<16xi32>
    %gather3A_596 = tpu.vector_load_idx %arg6[%add3A_595] : memref<400xf32, #tpu.memory_space<vmem>>[vector<16xi32>], vector<16xf32>,
    %add3A_597 = arith.addi %add3A_588, %broadcast_in_dim3A_28 : vector<16xi32>
    tpu.vector_store_idx %arg7[%add3A_597], %gather3A_596 : memref<2048xf32, #tpu.memory_space<vmem>>[vector<16xi32>], vector<16xf32>,
    %add3A_598 = arith.addi %mul3A_585, %broadcast_in_dim3A_30 : vector<16xi32>
    %gather3A_599 = tpu.vector_load_idx %arg6[%add3A_598] : memref<400xf32, #tpu.memory_space<vmem>>[vector<16xi32>], vector<16xf32>,
    %add3A_600 = arith.addi %add3A_588, %broadcast_in_dim3A_30 : vector<16xi32>
    tpu.vector_store_idx %arg7[%add3A_600], %gather3A_599 : memref<2048xf32, #tpu.memory_space<vmem>>[vector<16xi32>], vector<16xf32>,
    %get3A_601 = arith.constant 496 : index
    %get3A_602 = tpu.vector_load %arg5[%get3A_601] {strides = array<i32>} : memref<512xi32, #tpu.memory_space<vmem>>, vector<16xi32>,
    %mul3A_603 = arith.muli %get3A_602, %broadcast_in_dim3A_21 : vector<16xi32>
    %broadcast_in_dim3A_604 = arith.constant 1984 : i32
    %broadcast_in_dim3A_605 = vector.broadcast %broadcast_in_dim3A_604 : i32 to vector<16xi32>
    %add3A_606 = arith.addi %broadcast_in_dim3A_605, %mul3A_22 : vector<16xi32>
    %add3A_607 = arith.addi %mul3A_603, %broadcast_in_dim3A_24 : vector<16xi32>
    %gather3A_608 = tpu.vector_load_idx %arg6[%add3A_607] : memref<400xf32, #tpu.memory_space<vmem>>[vector<16xi32>], vector<16xf32>,
    %add3A_609 = arith.addi %add3A_606, %broadcast_in_dim3A_24 : vector<16xi32>
    tpu.vector_store_idx %arg7[%add3A_609], %gather3A_608 : memref<2048xf32, #tpu.memory_space<vmem>>[vector<16xi32>], vector<16xf32>,
    %add3A_610 = arith.addi %mul3A_603, %broadcast_in_dim3A_26 : vector<16xi32>
    %gather3A_611 = tpu.vector_load_idx %arg6[%add3A_610] : memref<400xf32, #tpu.memory_space<vmem>>[vector<16xi32>], vector<16xf32>,
    %add3A_612 = arith.addi %add3A_606, %broadcast_in_dim3A_26 : vector<16xi32>
    tpu.vector_store_idx %arg7[%add3A_612], %gather3A_611 : memref<2048xf32, #tpu.memory_space<vmem>>[vector<16xi32>], vector<16xf32>,
    %add3A_613 = arith.addi %mul3A_603, %broadcast_in_dim3A_28 : vector<16xi32>
    %gather3A_614 = tpu.vector_load_idx %arg6[%add3A_613] : memref<400xf32, #tpu.memory_space<vmem>>[vector<16xi32>], vector<16xf32>,
    %add3A_615 = arith.addi %add3A_606, %broadcast_in_dim3A_28 : vector<16xi32>
    tpu.vector_store_idx %arg7[%add3A_615], %gather3A_614 : memref<2048xf32, #tpu.memory_space<vmem>>[vector<16xi32>], vector<16xf32>,
    %add3A_616 = arith.addi %mul3A_603, %broadcast_in_dim3A_30 : vector<16xi32>
    %gather3A_617 = tpu.vector_load_idx %arg6[%add3A_616] : memref<400xf32, #tpu.memory_space<vmem>>[vector<16xi32>], vector<16xf32>,
    %add3A_618 = arith.addi %add3A_606, %broadcast_in_dim3A_30 : vector<16xi32>
    tpu.vector_store_idx %arg7[%add3A_618], %gather3A_617 : memref<2048xf32, #tpu.memory_space<vmem>>[vector<16xi32>], vector<16xf32>,
    %mul3A_619 = arith.constant 4 : i32
    %mul3A_620 = arith.muli %mul3A_2, %mul3A_619 : i32
    %add3A_621 = arith.constant 1024 : i32
    %add3A_622 = arith.addi %mul3A_620, %add3A_621 : i32
    %dma_start3A_623 = arith.constant 1024 : i32
    %dma_start3A_624 = tpu.memref_slice %arg7[%dma_start3A_623] : memref<2048xf32, #tpu.memory_space<vmem>> -> memref<1024xf32, #tpu.memory_space<vmem>>
    %dma_start3A_625 = tpu.memref_slice %arg4[%add3A_622] : memref<65536xf32, #tpu.memory_space<hbm>> -> memref<1024xf32, #tpu.memory_space<hbm>>
    %dma_start3A_626 = tpu.memref_slice %arg4[%add3A_622] : memref<65536xf32, #tpu.memory_space<hbm>> -> memref<1024xf32, #tpu.memory_space<hbm>>
    %dma_start3A_627 = arith.constant 1024 : i32
    %dma_start3A_628 = tpu.memref_slice %arg7[%dma_start3A_627] : memref<2048xf32, #tpu.memory_space<vmem>> -> memref<1024xf32, #tpu.memory_space<vmem>>
    tpu.enqueue_dma source(%dma_start3A_628 : memref<1024xf32, #tpu.memory_space<vmem>>) target(%dma_start3A_626 : memref<1024xf32, #tpu.memory_space<hbm>>) target_semaphore(%arg10 : memref<!tpu.dma_semaphore, #tpu.memory_space<semaphore_mem>>)
    %dma_wait3A_629 = arith.constant 0 : i32
    %dma_wait3A_630 = tpu.memref_slice %arg7[%dma_wait3A_629] : memref<2048xf32, #tpu.memory_space<vmem>> -> memref<1024xf32, #tpu.memory_space<vmem>>
    %dma_wait3A_631 = tpu.memref_slice %arg4[%mul3A_318] : memref<65536xf32, #tpu.memory_space<hbm>> -> memref<1024xf32, #tpu.memory_space<hbm>>
    %dma_wait3A_632 = tpu.memref_slice %arg4[%mul3A_318] : memref<65536xf32, #tpu.memory_space<hbm>> -> memref<1024xf32, #tpu.memory_space<hbm>>
    %dma_wait3A_633 = arith.constant 0 : i32
    %dma_wait3A_634 = tpu.memref_slice %arg7[%dma_wait3A_633] : memref<2048xf32, #tpu.memory_space<vmem>> -> memref<1024xf32, #tpu.memory_space<vmem>>
    tpu.wait_dma2 semaphore(%arg10 : memref<!tpu.dma_semaphore, #tpu.memory_space<semaphore_mem>>) src(%dma_wait3A_634 : memref<1024xf32, #tpu.memory_space<vmem>>) dst(%dma_wait3A_632 : memref<1024xf32, #tpu.memory_space<hbm>>)
    %dma_wait3A_635 = arith.constant 1024 : i32
    %dma_wait3A_636 = tpu.memref_slice %arg7[%dma_wait3A_635] : memref<2048xf32, #tpu.memory_space<vmem>> -> memref<1024xf32, #tpu.memory_space<vmem>>
    %dma_wait3A_637 = tpu.memref_slice %arg4[%add3A_622] : memref<65536xf32, #tpu.memory_space<hbm>> -> memref<1024xf32, #tpu.memory_space<hbm>>
    %dma_wait3A_638 = tpu.memref_slice %arg4[%add3A_622] : memref<65536xf32, #tpu.memory_space<hbm>> -> memref<1024xf32, #tpu.memory_space<hbm>>
    %dma_wait3A_639 = arith.constant 1024 : i32
    %dma_wait3A_640 = tpu.memref_slice %arg7[%dma_wait3A_639] : memref<2048xf32, #tpu.memory_space<vmem>> -> memref<1024xf32, #tpu.memory_space<vmem>>
    tpu.wait_dma2 semaphore(%arg10 : memref<!tpu.dma_semaphore, #tpu.memory_space<semaphore_mem>>) src(%dma_wait3A_640 : memref<1024xf32, #tpu.memory_space<vmem>>) dst(%dma_wait3A_638 : memref<1024xf32, #tpu.memory_space<hbm>>)
    return
  }
}

</mosaic_0001>

<sc_bundles>
// kernel: kernel.3.cloned.1.call-start
scs
__scs_entry_jumppad:
0x0: {  	(pc) =	sbr.rel $0x88, $3  }
0x1: {  	(tag) =	ssettag $0x0;
	lr =	simm.s32 $0x1  }
0x2: {  	[smem:$0x3F9F] =	sst lr;
	_ =	strace $0xD0000000  }
0x3: {  	_ = 	snop  }
0x4: {  	_ = 	snop  }
0x5: {  	_ = 	snop  }
0x6: {  	_ = 	snop  }
0x7: {  	_ = 	snop  }
__scs_overlays_trampoline_lowered:
0x8: {  	[smem:$0x3FAE] =	sst s0  }
0x9: {  	[smem:$0x3FAF] =	sst s1  }
0xa: {  	[smem:$0x3FB0] =	sst s2  }
0xb: {  	[smem:$0x3FB1] =	sst s3  }
0xc: {  	[smem:$0x3FB2] =	sst s4  }
0xd: {  	[smem:$0x3FB3] =	sst s5  }
0xe: {  	[smem:$0x3FB4] =	sst s6  }
0xf: {  	[smem:$0x3FB5] =	sst s7  }
0x10: {  	[smem:$0x3FB6] =	sst s8  }
0x11: {  	[smem:$0x3FB7] =	sst s9;
	s0 =	simm.s32 @!p0 $0x0  }
0x12: {  	s1 =	sld [smem:$0x3F9D];
	s0 =	simm.s32 @p0 $0x1  }
0x13: {  	[smem:$0x3FB8] =	sst s0;
	s0 =	simm.s32 @!p1 $0x0  }
0x14: {  	s2 =	sld [smem:$0x3F9C];
	s0 =	simm.s32 @p1 $0x1  }
0x15: {  	[smem:$0x3FB9] =	sst s0;
	s0 =	simm.s32 @!p2 $0x0  }
0x16: {  	s3 =	sld [smem:$0x3FDB];
	s0 =	simm.s32 @p2 $0x1  }
0x17: {  	s4 =	simm.s32 $0x1BF5;
	[smem:$0x3FBB] =	sst s0  }
0x18: {  	s0 =	sld [smem:$0x3F9E];
	_ =	swait.ge [sflag:s4], $0x0  }
0x19: {  	s7 =	sld [smem:$0x3F9F]  }
0x1a: {  	s8 =	sadd.s32 $0xFFFFE003, lr  }
0x1b: {  	s9 =	sadd.s32 $0xFFFFFEF7, lr;
	s5 =	simm.s32 $0xFFFFFFFF;
	p2 =	slt.u32 s8, $0xFFFFF086  }
0x1c: {  	p1 =	slt.u32 s9, $0xF7A;
	s5 =	simm.s32 @!p2 $0x0  }
0x1d: {  	s5 =	simm.s32 @p1 $0x1;
	p0 =	seq.s32 s7, s2  }
0x1e: {  	s7 =	smul.u32 @!p0 $0xF7A, s2;
	p2 =	seq.s32 @!p0 s5, $0x0  }
0x1f: {  	s9 =	smul.u32 $0xF7A, s1;
	s8 =	simm.s32 @!p0 $0x1BF5;
	p2 =	por !p2, p0  }
0x20: {  	[sflag:s8] =	ssyncset.s32 @!p0 $0xFFFFF086;
	s6 =	sadd.s32 @!p0 s3, s7;
	s7 =	simm.s32 @!p0 $0x108  }
0x21: {  	s3 =	sadd.s32 s3, s9;
	s6 =	sadd.s32 @!p0 $0x88, s6;
	s7 =	simm.s32 @p2 $0x1082  }
0x22: {  	[simem:s7], [sflag:s8] =	dma.local @!p0 [hbm:s6], $0xF7A  }
0x23: {  	s9 =	sor.u32 $0xD0000000, s2;
	s6 =	simm.s32 $0x108;
	_ =	swait.ge @!p0 [sflag:s8], $0x0  }
0x24: {  	s3 =	sadd.s32 $0x88, s3;
	s6 =	simm.s32 @!p1 $0x1082;
	[sflag:s4] =	ssyncset.s32 $0xFFFFF086  }
0x25: {  	[simem:s6], [sflag:s4] =	dma.local [hbm:s3], $0xF7A  }
0x26: {  	[smem:$0x3F9F] =	sst s1;
	(tag) =	ssettag s2;
	_ =	strace s9  }
0x27: {  	s1 =	sld [smem:$0x3FAF]  }
0x28: {  	s2 =	sld [smem:$0x3FB0]  }
0x29: {  	s4 =	sld [smem:$0x3FB2]  }
0x2a: {  	p0 =	seq.s32 s5, $0x0;
	s5 =	sld [smem:$0x3FB3]  }
0x2b: {  	s6 =	sld [smem:$0x3FB4]  }
0x2c: {  	s7 =	sld [smem:$0x3FB5]  }
0x2d: {  	s3 =	simm.s32 $0x108;
	s8 =	sld [smem:$0x3FB6]  }
0x2e: {  	s3 =	simm.s32 @!p0 $0x1082;
	s9 =	sld [smem:$0x3FB7]  }
0x2f: {  	lr =	sadd.s32 s0, s3;
	s0 =	sld [smem:$0x3FAE]  }
0x30: {  	s3 =	sld [smem:$0x3FB1]  }
0x31: {  	[smem:$0x3FBA] =	sst s10  }
0x32: {  	s10 =	sld [smem:$0x3FB8];
	_ =	sdelay $0x3  }
0x33: {  	p0 =	seq.s32 s10, $0x1;
	s10 =	sld [smem:$0x3FBA];
	_ =	sdelay $0x3  }
0x34: {  	[smem:$0x3FBA] =	sst s10  }
0x35: {  	s10 =	sld [smem:$0x3FB9];
	_ =	sdelay $0x3  }
0x36: {  	p1 =	seq.s32 s10, $0x1;
	s10 =	sld [smem:$0x3FBA];
	_ =	sdelay $0x3  }
0x37: {  	[smem:$0x3FBA] =	sst s10  }
0x38: {  	s10 =	sld [smem:$0x3FBB]  }
0x39: {  	_ = 	snop;
	(pc) =	sbr.ind lr, $3  }
0x3a: {  	_ = 	snop  }
0x3b: {  	_ = 	snop  }
0x3c: {  	p2 =	seq.s32 s10, $0x1;
	s10 =	sld [smem:$0x3FBA]  }
0x3d: {  	_ =	shalt  }
0x3e: {  	_ =	shalt  }
0x3f: {  	_ =	shalt  }
0x40: {  	_ =	shalt  }
0x41: {  	_ =	shalt  }
0x42: {  	_ =	shalt  }
0x43: {  	_ =	shalt  }
0x44: {  	_ =	shalt  }
0x45: {  	_ =	shalt  }
0x46: {  	_ =	shalt  }
0x47: {  	_ =	shalt  }
0x48: {  	_ =	shalt  }
0x49: {  	_ =	shalt  }
0x4a: {  	_ =	shalt  }
0x4b: {  	_ =	shalt  }
0x4c: {  	_ =	shalt  }
0x4d: {  	_ =	shalt  }
0x4e: {  	_ =	shalt  }
0x4f: {  	_ =	shalt  }
0x50: {  	_ =	shalt  }
0x51: {  	_ =	shalt  }
0x52: {  	_ =	shalt  }
0x53: {  	_ =	shalt  }
0x54: {  	_ =	shalt  }
0x55: {  	_ =	shalt  }
0x56: {  	_ =	shalt  }
0x57: {  	_ =	shalt  }
0x58: {  	_ =	shalt  }
0x59: {  	_ =	shalt  }
0x5a: {  	_ =	shalt  }
0x5b: {  	_ =	shalt  }
0x5c: {  	_ =	shalt  }
0x5d: {  	_ =	shalt  }
0x5e: {  	_ =	shalt  }
0x5f: {  	_ =	shalt  }
0x60: {  	_ =	shalt  }
0x61: {  	_ =	shalt  }
0x62: {  	_ =	shalt  }
0x63: {  	_ =	shalt  }
0x64: {  	_ =	shalt  }
0x65: {  	_ =	shalt  }
0x66: {  	_ =	shalt  }
0x67: {  	_ =	shalt  }
0x68: {  	_ =	shalt  }
0x69: {  	_ =	shalt  }
0x6a: {  	_ =	shalt  }
0x6b: {  	_ =	shalt  }
0x6c: {  	_ =	shalt  }
0x6d: {  	_ =	shalt  }
0x6e: {  	_ =	shalt  }
0x6f: {  	_ =	shalt  }
0x70: {  	_ =	shalt  }
0x71: {  	_ =	shalt  }
0x72: {  	_ =	shalt  }
0x73: {  	_ =	shalt  }
0x74: {  	_ =	shalt  }
0x75: {  	_ =	shalt  }
0x76: {  	_ =	shalt  }
0x77: {  	_ =	shalt  }
0x78: {  	_ =	shalt  }
0x79: {  	_ =	shalt  }
0x7a: {  	_ =	shalt  }
0x7b: {  	_ =	shalt  }
0x7c: {  	_ =	shalt  }
0x7d: {  	_ =	shalt  }
0x7e: {  	_ =	shalt  }
0x7f: {  	_ =	shalt  }
0x80: {  	_ =	shalt  }
0x81: {  	_ =	shalt  }
0x82: {  	_ =	shalt  }
0x83: {  	_ =	shalt  }
0x84: {  	_ =	shalt  }
0x85: {  	_ =	shalt  }
0x86: {  	_ =	shalt  }
0x87: {  	_ =	shalt  }
.Lfunc_end0:
.L_simem_size_0:
called_computation_lowered:
.L_overlay_start_0:
0x88: {  	s2 =	sld [smem:$0x3FD9]  }
0x89: {  	s3 =	sld [smem:$0x3FFE];
	_ =	sdelay $0x1  }
0x8a: {  	s1 =	srdreg.scid  }
0x8b: {  	s0 =	sand.u32 $0x1, s1  }
0x8c: {  	s15 =	sshll.u32 s0, $0xA;
	s2 =	sadd.s32 s3, s2  }
0x8d: {  	s2 =	sadd.s32 s2, s15  }
0x8e: {  	[smem:$0x3FC6] =	sst s2  }
0x8f: {  	_ = 	snop  }
0x90: {  	s2 =	sld [smem:$0x3FD0];
	_ =	sdelay $0x2  }
0x91: {  	s4 =	simm.s32 $0xA;
	s5 =	simm.s32 $0x10;
	s16 =	sld [smem:$0x3FC9]  }
0x92: {  	[smem:s5], [sflag:s4] =	dma.local [hbm:s2], $0x1  }
0x93: {  	_ =	swait.eq [sflag:s4], $0x1  }
0x94: {  	[sflag:s4] =	ssyncset.done $0x0  }
0x95: {  	s17 =	sld [smem:$0x10];
	[sflag:s4] =	ssyncadd.s32 $0xFFFFFFFF  }
0x96: {  	s18 =	sld [smem:$0x11];
	(tm) =	ssettm $0x1  }
0x97: {  	s19 =	sld [smem:$0x3FFB];
	_ =	sdelay $0x3  }
0x98: {  	_ =	strace s19  }
0x99: {  	s5 =	sld [smem:$0x3FFC];
	_ =	sdelay $0x3  }
0x9a: {  	_ =	strace s5  }
0x9b: {  	s5 =	sld [smem:$0x3FFD];
	_ =	sdelay $0x3  }
0x9c: {  	_ =	strace s5  }
0x9d: {  	_ =	strace $0x8FFFFFFF  }
0x9e: {  	s20 =	sld [smem:$0x3FDB];
	_ =	sdelay $0x1  }
0x9f: {  	s6 =	simm.s32 $_scs_section_size  }
0xa0: {  	s7 =	simm.s32 $_size__tile_overlayer_lowered;
	s8 =	simm.s32 $_tile_overlayer_lowered  }
0xa1: {  	s23 =	simm.s32 $0x1BFF;
	s22 =	sshll.u32 s8, $0x1;
	s5 =	sadd.s32 s6, s20  }
0xa2: {  	s9 =	simm.s32 $0x0;
	s21 =	sshll.u32 s7, $0x1;
	s7 =	sadd.s32 s22, s5  }
0xa3: {  	[timem:s9], [sflag:s23] =	dma.local [hbm:s7], s21  }
0xa4: {  	_ =	swait.ge [sflag:s23], s21  }
0xa5: {  	s6 =	ssub.s32 $0x0, s21;
	[sflag:s23] =	ssyncset.done $0x0  }
0xa6: {  	[sflag:s23] =	ssyncadd.s32 s6;
	_ =	sdelay $0x1  }
0xa7: {  	s24 =	simm.s32 $0x1B8B  }
0xa8: {  	_ =	swait.ge [sflag:s24], $0x1  }
0xa9: {  	[sflag:s24] =	ssyncset.done $0x0  }
0xaa: {  	s25 =	simm.s32 $0x1B8E;
	[sflag:s24] =	ssyncadd.s32 $0xFFFFFFFF  }
0xab: {  	s26 =	simm.s32 $execute0_lowered;
	[smem:$0x3FD2] =	sst s25  }
0xac: {  	s6 =	sshll.u32 s26, $0x1;
	_ =	strace $0x80000046;
	[dreg:$0x1] =	wrdreg $0xFFFFFFFF  }
0xad: {  	s28 =	simm.s32 $_size_execute0_lowered;
	s5 =	sadd.s32 s5, s6;
	[dreg:$0x0] =	wrdreg $0x0  }
0xae: {  	s6 =	sshll.u32 s28, $0x1;
	[dreg:$0x2] =	wrdreg s5  }
0xaf: {  	[dreg:$0x3] =	wrdreg s6  }
0xb0: {  	[dreg:$0x4] =	wrdreg $0xC0  }
0xb1: {  	_ =	task [dreg:s9], $0x5FFFF  }
0xb2: {  	[dreg:$0x1] =	wrdreg $0xFFFFFFFF  }
0xb3: {  	[dreg:$0x0] =	wrdreg $0x60  }
0xb4: {  	[dreg:$0x2] =	wrdreg s16  }
0xb5: {  	[dreg:$0x3] =	wrdreg s17  }
0xb6: {  	[dreg:$0x4] =	wrdreg s18  }
0xb7: {  	[dreg:$0x5] =	wrdreg $0x9  }
0xb8: {  	_ =	task.clear_ibuf [dreg:s9], $0x6FFFF;
	_ =	strace $0x90000046  }
0xb9: {  	s29 =	simm.s32 $0x9;
	_ =	strace $0x80000048  }
0xba: {  	_ =	swait.ge [sflag:s29], $0x1  }
0xbb: {  	[sflag:s29] =	ssyncadd.s32 $0xFFFFFFFF  }
0xbc: {  	_ =	strace $0x90000048  }
0xbd: {  	_ =	sfence  }
0xbe: {  	s30 =	sld [smem:$0x0];
	_ =	sdelay $0x2  }
0xbf: {  	s31 =	sshll.u32 s1, $0xD;
	s1 =	sshrl.u32 s1, $0x2  }
0xc0: {  	s3 =	sand.u32 $0x4000, s31;
	s1 =	sadd.s32 s1, s30  }
0xc1: {  	s0 =	sor.u32 s3, s0;
	s1 =	sshll.u32 s1, $0x11  }
0xc2: {  	s0 =	sor.u32 s1, s0  }
0xc3: {  	s0 =	sadd.s32 $0x8F2B, s0  }
0xc4: {  	[sflag:s0] =	ssyncadd.remote.s32 $0x1  }
0xc5: {  	_ =	sfence.sel $0xFFFF  }
0xc6: {  	[dreg:$0x0] =	wrdreg $0xFFFFFFFF;
	(pc) =	sbr.abs _section_cstart, $3  }
0xc7: {  	[dreg:$0x1] =	wrdreg $0xFFFFFFFF  }
0xc8: {  	_ =	task.clear_ibuf [dreg:s9], $0x2FFFF;
	_ =	strace $0x9FFFFFFF  }
0xc9: {  	(tm) =	ssettm $0x7FFFFFFF  }
tec
execute0_lowered:
.L_overlay_start_1:
0x0: {  	(tag) =	ssettag $0x1  }
0x1: {  	v0 =	vlaneseq.u32  }
0x2: {  	v0 =	vmul.u32 $0x4, v0;
	_ =	sdelay $0x1  }
0x3: {  	v1 =	vor.u32 $0x1, v0;
	v5 =	vor.u32 $0x41, v0;
	v6 =	vor.u32 $0x42, v0  }
0x4: {  	v7 =	vor.u32 $0x43, v0;
	v8 =	vor.u32 $0x80, v0;
	v9 =	vor.u32 $0x81, v0  }
0x5: {  	v10 =	vor.u32 $0x82, v0;
	v11 =	vor.u32 $0x83, v0;
	v12 =	vor.u32 $0xC0, v0  }
0x6: {  	v13 =	vor.u32 $0xC1, v0;
	v14 =	vor.u32 $0xC2, v0;
	v15 =	vor.u32 $0xC3, v0  }
0x7: {  	v16 =	vor.u32 $0x100, v0;
	v17 =	vor.u32 $0x101, v0;
	v18 =	vor.u32 $0x102, v0  }
0x8: {  	v19 =	vor.u32 $0x103, v0;
	v20 =	vor.u32 $0x140, v0;
	v21 =	vor.u32 $0x141, v0  }
0x9: {  	v22 =	vor.u32 $0x142, v0;
	v23 =	vor.u32 $0x143, v0;
	v24 =	vor.u32 $0x180, v0  }
0xa: {  	v25 =	vor.u32 $0x181, v0;
	v26 =	vor.u32 $0x182, v0;
	v27 =	vor.u32 $0x183, v0  }
0xb: {  	v28 =	vor.u32 $0x1C0, v0;
	v29 =	vor.u32 $0x1C1, v0;
	v30 =	vor.u32 $0x1C2, v0  }
0xc: {  	s4 =	rddreg [dreg:$0x0];
	v31 =	vor.u32 $0x1C3, v0;
	v32 =	vor.u32 $0x200, v0;
	v33 =	vor.u32 $0x201, v0  }
0xd: {  	s0 =	rddreg [dreg:$0x1];
	v34 =	vor.u32 $0x202, v0;
	v35 =	vor.u32 $0x203, v0;
	v36 =	vor.u32 $0x240, v0  }
0xe: {  	s6 =	rddreg [dreg:$0x2];
	v37 =	vor.u32 $0x241, v0;
	v38 =	vor.u32 $0x242, v0;
	v39 =	vor.u32 $0x243, v0  }
0xf: {  	s1 =	rddreg [dreg:$0x3];
	s5 =	srdreg.scid;
	v40 =	vor.u32 $0x280, v0;
	v41 =	vor.u32 $0x281, v0;
	v42 =	vor.u32 $0x282, v0  }
0x10: {  	s2 =	stileid.u32;
	s3 =	simm.s32 $0x0;
	s10 =	simm.s32 $0x100;
	v43 =	vor.u32 $0x283, v0;
	v44 =	vor.u32 $0x2C0, v0;
	v45 =	vor.u32 $0x2C1, v0  }
0x11: {  	s11 =	simm.s32 $0x1;
	s12 =	simm.s32 $0x2;
	s13 =	simm.s32 $0x400;
	v46 =	vor.u32 $0x2C2, v0;
	v47 =	vor.u32 $0x2C3, v0;
	v48 =	vor.u32 $0x300, v0  }
0x12: {  	s14 =	simm.s32 $0x800;
	s5 =	sand.u32 $0x1, s5;
	s7 =	sshll.u32 s2, $0x1;
	v49 =	vor.u32 $0x301, v0;
	v50 =	vor.u32 $0x302, v0;
	v51 =	vor.u32 $0x303, v0  }
0x13: {  	s15 =	simm.s32 $0x3;
	s7 =	sor.u32 s5, s7;
	s5 =	ssub.s32 $0x2, s5;
	v52 =	vor.u32 $0x340, v0;
	v53 =	vor.u32 $0x341, v0;
	[tilespmem:$0x1FFC0] =	vst v1;
	v1 =	vor.u32 $0x2, v0  }
0x14: {  	[smem:$0x7FF] =	sst s3;
	s8 =	sshll.u32 s7, $0x6;
	s9 =	sshrl.u32 s5, $0x1;
	v54 =	vor.u32 $0x342, v0;
	v55 =	vor.u32 $0x343, v0;
	[tilespmem:$0x1FFD0] =	vst v1;
	v1 =	vor.u32 $0x3, v0  }
0x15: {  	s7 =	sshll.u32 s7, $0x8;
	v56 =	vor.u32 $0x380, v0;
	v57 =	vor.u32 $0x381, v0;
	s4 =	sadd.s32 s4, s8;
	s31 =	ssub.s32 s5, s9;
	[tilespmem:$0x1FFE0] =	vst v1;
	v1 =	vor.u32 $0x40, v0  }
0x16: {  	v58 =	vor.u32 $0x382, v0;
	v59 =	vor.u32 $0x383, v0;
	v60 =	vor.u32 $0x3C0, v0;
	s6 =	sadd.s32 s6, s7;
	s9 =	simm.s32 $0x200;
	s5 =	sadd.s32 $0x20, s4;
	[tilespmem:$0x1FFF0] =	vst v1  }
0x17: {  	v61 =	vor.u32 $0x3C1, v0;
	v62 =	vor.u32 $0x3C2, v0;
	v63 =	vor.u32 $0x3C3, v0;
	s7 =	sadd.s32 $0x80, s6;
	s8 =	smax.u32 s31, $0x1;
	_ =	strace $0x80000047  }
.LBB2_1:
0x18: {  	[tilespmem:s3], [sflag:$0x1] =	stream.linear.gather [hbm4b:s4+s3], $0x100, $0x38;
	[tilespmem:$0xC00] =	vst v63  }
0x19: {  	_ = 	snop  }
0x1a: {  	[tilespmem:s9], [sflag:$0x2] =	stream.linear.gather [hbm4b:s0+s3], $0x200, $0x38;
	[tilespmem:$0xC00] =	vst v63  }
0x1b: {  	_ = 	snop  }
0x1c: {  	[tilespmem:s10], [sflag:$0x1] =	stream.linear.gather [hbm4b:s5+s3], $0x100, $0x38;
	[tilespmem:$0xC00] =	vst v63  }
0x1d: {  	_ =	swait.ge [sflag:s11], $0x100  }
0x1e: {  	[sflag:s11] =	ssyncset.done $0x0  }
0x1f: {  	[sflag:s11] =	ssyncadd.s32 $0xFFFFFF00  }
0x20: {  	_ =	swait.ge [sflag:s12], $0x200  }
0x21: {  	[sflag:s12] =	ssyncset.done $0x0  }
0x22: {  	[sflag:s12] =	ssyncadd.s32 $0xFFFFFE00  }
0x23: {  	v1 =	vld [tilespmem:$0x0];
	_ =	sdelay $0x4  }
0x24: {  	v1 =	vshll.u32 v1, $0x2;
	_ =	sdelay $0x4  }
0x25: {  	v2 =	vld.idx.msk [tilespmem:v1+s9+$0x0], $0xffff  }
0x26: {  	v3 =	vor.u32 $0x1, v1;
	_ =	sdelay $0x1  }
0x27: {  	v4 =	vld [tilespmem:$0x1FFC0];
	_ =	sdelay $0x1  }
0x28: {  	[tilespmem:v0+s13+$0x0] =	vst.idx.msk $0xffff, v2  }
0x29: {  	v2 =	vld.idx.msk [tilespmem:v3+s9+$0x0], $0xffff  }
0x2a: {  	v3 =	vor.u32 $0x2, v1;
	_ =	sdelay $0x3  }
0x2b: {  	[tilespmem:v4+s13+$0x0] =	vst.idx.msk $0xffff, v2  }
0x2c: {  	v2 =	vld.idx.msk [tilespmem:v3+s9+$0x0], $0xffff  }
0x2d: {  	v3 =	vld [tilespmem:$0x1FFD0];
	_ =	sdelay $0x5  }
0x2e: {  	v1 =	vor.u32 $0x3, v1;
	_ =	sdelay $0x1  }
0x2f: {  	[tilespmem:v3+s13+$0x0] =	vst.idx.msk $0xffff, v2;
	v2 =	vld [tilespmem:$0x1FFE0];
	_ =	sdelay $0x2  }
0x30: {  	v1 =	vld.idx.msk [tilespmem:v1+s9+$0x0], $0xffff;
	_ =	sdelay $0x4  }
0x31: {  	[tilespmem:v2+s13+$0x0] =	vst.idx.msk $0xffff, v1  }
0x32: {  	v1 =	vld [tilespmem:$0x10];
	_ =	sdelay $0x4  }
0x33: {  	v1 =	vshll.u32 v1, $0x2;
	_ =	sdelay $0x1  }
0x34: {  	v4 =	vld [tilespmem:$0x1FFF0];
	_ =	sdelay $0x2  }
0x35: {  	v2 =	vld.idx.msk [tilespmem:v1+s9+$0x0], $0xffff  }
0x36: {  	v3 =	vor.u32 $0x1, v1;
	_ =	sdelay $0x3  }
0x37: {  	[tilespmem:v4+s13+$0x0] =	vst.idx.msk $0xffff, v2  }
0x38: {  	v2 =	vld.idx.msk [tilespmem:v3+s9+$0x0], $0xffff  }
0x39: {  	v3 =	vor.u32 $0x2, v1;
	_ =	sdelay $0x3  }
0x3a: {  	[tilespmem:v5+s13+$0x0] =	vst.idx.msk $0xffff, v2  }
0x3b: {  	v2 =	vld.idx.msk [tilespmem:v3+s9+$0x0], $0xffff  }
0x3c: {  	v1 =	vor.u32 $0x3, v1;
	_ =	sdelay $0x3  }
0x3d: {  	[tilespmem:v6+s13+$0x0] =	vst.idx.msk $0xffff, v2  }
0x3e: {  	v1 =	vld.idx.msk [tilespmem:v1+s9+$0x0], $0xffff;
	_ =	sdelay $0x4  }
0x3f: {  	[tilespmem:v7+s13+$0x0] =	vst.idx.msk $0xffff, v1  }
0x40: {  	v1 =	vld [tilespmem:$0x20];
	_ =	sdelay $0x4  }
0x41: {  	v1 =	vshll.u32 v1, $0x2;
	_ =	sdelay $0x4  }
0x42: {  	v2 =	vld.idx.msk [tilespmem:v1+s9+$0x0], $0xffff  }
0x43: {  	v3 =	vor.u32 $0x1, v1;
	_ =	sdelay $0x3  }
0x44: {  	[tilespmem:v8+s13+$0x0] =	vst.idx.msk $0xffff, v2  }
0x45: {  	v2 =	vld.idx.msk [tilespmem:v3+s9+$0x0], $0xffff  }
0x46: {  	v3 =	vor.u32 $0x2, v1;
	_ =	sdelay $0x3  }
0x47: {  	[tilespmem:v9+s13+$0x0] =	vst.idx.msk $0xffff, v2  }
0x48: {  	v2 =	vld.idx.msk [tilespmem:v3+s9+$0x0], $0xffff  }
0x49: {  	v1 =	vor.u32 $0x3, v1;
	_ =	sdelay $0x3  }
0x4a: {  	[tilespmem:v10+s13+$0x0] =	vst.idx.msk $0xffff, v2  }
0x4b: {  	v1 =	vld.idx.msk [tilespmem:v1+s9+$0x0], $0xffff;
	_ =	sdelay $0x4  }
0x4c: {  	[tilespmem:v11+s13+$0x0] =	vst.idx.msk $0xffff, v1  }
0x4d: {  	v1 =	vld [tilespmem:$0x30];
	_ =	sdelay $0x4  }
0x4e: {  	v1 =	vshll.u32 v1, $0x2;
	_ =	sdelay $0x4  }
0x4f: {  	v2 =	vld.idx.msk [tilespmem:v1+s9+$0x0], $0xffff  }
0x50: {  	v3 =	vor.u32 $0x1, v1;
	_ =	sdelay $0x3  }
0x51: {  	[tilespmem:v12+s13+$0x0] =	vst.idx.msk $0xffff, v2  }
0x52: {  	v2 =	vld.idx.msk [tilespmem:v3+s9+$0x0], $0xffff  }
0x53: {  	v3 =	vor.u32 $0x2, v1;
	_ =	sdelay $0x3  }
0x54: {  	[tilespmem:v13+s13+$0x0] =	vst.idx.msk $0xffff, v2  }
0x55: {  	v2 =	vld.idx.msk [tilespmem:v3+s9+$0x0], $0xffff  }
0x56: {  	v1 =	vor.u32 $0x3, v1;
	_ =	sdelay $0x3  }
0x57: {  	[tilespmem:v14+s13+$0x0] =	vst.idx.msk $0xffff, v2  }
0x58: {  	v1 =	vld.idx.msk [tilespmem:v1+s9+$0x0], $0xffff;
	_ =	sdelay $0x4  }
0x59: {  	[tilespmem:v15+s13+$0x0] =	vst.idx.msk $0xffff, v1  }
0x5a: {  	v1 =	vld [tilespmem:$0x40];
	_ =	sdelay $0x4  }
0x5b: {  	v1 =	vshll.u32 v1, $0x2;
	_ =	sdelay $0x4  }
0x5c: {  	v2 =	vld.idx.msk [tilespmem:v1+s9+$0x0], $0xffff  }
0x5d: {  	v3 =	vor.u32 $0x1, v1;
	_ =	sdelay $0x3  }
0x5e: {  	[tilespmem:v16+s13+$0x0] =	vst.idx.msk $0xffff, v2  }
0x5f: {  	v2 =	vld.idx.msk [tilespmem:v3+s9+$0x0], $0xffff  }
0x60: {  	v3 =	vor.u32 $0x2, v1;
	_ =	sdelay $0x3  }
0x61: {  	[tilespmem:v17+s13+$0x0] =	vst.idx.msk $0xffff, v2  }
0x62: {  	v2 =	vld.idx.msk [tilespmem:v3+s9+$0x0], $0xffff  }
0x63: {  	v1 =	vor.u32 $0x3, v1;
	_ =	sdelay $0x3  }
0x64: {  	[tilespmem:v18+s13+$0x0] =	vst.idx.msk $0xffff, v2  }
0x65: {  	v1 =	vld.idx.msk [tilespmem:v1+s9+$0x0], $0xffff;
	_ =	sdelay $0x4  }
0x66: {  	[tilespmem:v19+s13+$0x0] =	vst.idx.msk $0xffff, v1  }
0x67: {  	v1 =	vld [tilespmem:$0x50];
	_ =	sdelay $0x4  }
0x68: {  	v1 =	vshll.u32 v1, $0x2;
	_ =	sdelay $0x4  }
0x69: {  	v2 =	vld.idx.msk [tilespmem:v1+s9+$0x0], $0xffff  }
0x6a: {  	v3 =	vor.u32 $0x1, v1;
	_ =	sdelay $0x3  }
0x6b: {  	[tilespmem:v20+s13+$0x0] =	vst.idx.msk $0xffff, v2  }
0x6c: {  	v2 =	vld.idx.msk [tilespmem:v3+s9+$0x0], $0xffff  }
0x6d: {  	v3 =	vor.u32 $0x2, v1;
	_ =	sdelay $0x3  }
0x6e: {  	[tilespmem:v21+s13+$0x0] =	vst.idx.msk $0xffff, v2  }
0x6f: {  	v2 =	vld.idx.msk [tilespmem:v3+s9+$0x0], $0xffff  }
0x70: {  	v1 =	vor.u32 $0x3, v1;
	_ =	sdelay $0x3  }
0x71: {  	[tilespmem:v22+s13+$0x0] =	vst.idx.msk $0xffff, v2  }
0x72: {  	v1 =	vld.idx.msk [tilespmem:v1+s9+$0x0], $0xffff;
	_ =	sdelay $0x4  }
0x73: {  	[tilespmem:v23+s13+$0x0] =	vst.idx.msk $0xffff, v1  }
0x74: {  	v1 =	vld [tilespmem:$0x60];
	_ =	sdelay $0x4  }
0x75: {  	v1 =	vshll.u32 v1, $0x2;
	_ =	sdelay $0x4  }
0x76: {  	v2 =	vld.idx.msk [tilespmem:v1+s9+$0x0], $0xffff  }
0x77: {  	v3 =	vor.u32 $0x1, v1;
	_ =	sdelay $0x3  }
0x78: {  	[tilespmem:v24+s13+$0x0] =	vst.idx.msk $0xffff, v2  }
0x79: {  	v2 =	vld.idx.msk [tilespmem:v3+s9+$0x0], $0xffff  }
0x7a: {  	v3 =	vor.u32 $0x2, v1;
	_ =	sdelay $0x3  }
0x7b: {  	[tilespmem:v25+s13+$0x0] =	vst.idx.msk $0xffff, v2  }
0x7c: {  	v2 =	vld.idx.msk [tilespmem:v3+s9+$0x0], $0xffff  }
0x7d: {  	v1 =	vor.u32 $0x3, v1;
	_ =	sdelay $0x3  }
0x7e: {  	[tilespmem:v26+s13+$0x0] =	vst.idx.msk $0xffff, v2  }
0x7f: {  	v1 =	vld.idx.msk [tilespmem:v1+s9+$0x0], $0xffff;
	_ =	sdelay $0x4  }
0x80: {  	[tilespmem:v27+s13+$0x0] =	vst.idx.msk $0xffff, v1  }
0x81: {  	v1 =	vld [tilespmem:$0x70];
	_ =	sdelay $0x4  }
0x82: {  	v1 =	vshll.u32 v1, $0x2;
	_ =	sdelay $0x4  }
0x83: {  	v2 =	vld.idx.msk [tilespmem:v1+s9+$0x0], $0xffff  }
0x84: {  	v3 =	vor.u32 $0x1, v1;
	_ =	sdelay $0x3  }
0x85: {  	[tilespmem:v28+s13+$0x0] =	vst.idx.msk $0xffff, v2  }
0x86: {  	v2 =	vld.idx.msk [tilespmem:v3+s9+$0x0], $0xffff  }
0x87: {  	v3 =	vor.u32 $0x2, v1;
	_ =	sdelay $0x3  }
0x88: {  	[tilespmem:v29+s13+$0x0] =	vst.idx.msk $0xffff, v2  }
0x89: {  	v2 =	vld.idx.msk [tilespmem:v3+s9+$0x0], $0xffff  }
0x8a: {  	v1 =	vor.u32 $0x3, v1;
	_ =	sdelay $0x3  }
0x8b: {  	[tilespmem:v30+s13+$0x0] =	vst.idx.msk $0xffff, v2  }
0x8c: {  	v1 =	vld.idx.msk [tilespmem:v1+s9+$0x0], $0xffff;
	_ =	sdelay $0x4  }
0x8d: {  	[tilespmem:v31+s13+$0x0] =	vst.idx.msk $0xffff, v1  }
0x8e: {  	v1 =	vld [tilespmem:$0x80];
	_ =	sdelay $0x4  }
0x8f: {  	v1 =	vshll.u32 v1, $0x2;
	_ =	sdelay $0x4  }
0x90: {  	v2 =	vld.idx.msk [tilespmem:v1+s9+$0x0], $0xffff  }
0x91: {  	v3 =	vor.u32 $0x1, v1;
	_ =	sdelay $0x3  }
0x92: {  	[tilespmem:v32+s13+$0x0] =	vst.idx.msk $0xffff, v2  }
0x93: {  	v2 =	vld.idx.msk [tilespmem:v3+s9+$0x0], $0xffff  }
0x94: {  	v3 =	vor.u32 $0x2, v1;
	_ =	sdelay $0x3  }
0x95: {  	[tilespmem:v33+s13+$0x0] =	vst.idx.msk $0xffff, v2  }
0x96: {  	v2 =	vld.idx.msk [tilespmem:v3+s9+$0x0], $0xffff  }
0x97: {  	v1 =	vor.u32 $0x3, v1;
	_ =	sdelay $0x3  }
0x98: {  	[tilespmem:v34+s13+$0x0] =	vst.idx.msk $0xffff, v2  }
0x99: {  	v1 =	vld.idx.msk [tilespmem:v1+s9+$0x0], $0xffff;
	_ =	sdelay $0x4  }
0x9a: {  	[tilespmem:v35+s13+$0x0] =	vst.idx.msk $0xffff, v1  }
0x9b: {  	v1 =	vld [tilespmem:$0x90];
	_ =	sdelay $0x4  }
0x9c: {  	v1 =	vshll.u32 v1, $0x2;
	_ =	sdelay $0x4  }
0x9d: {  	v2 =	vld.idx.msk [tilespmem:v1+s9+$0x0], $0xffff  }
0x9e: {  	v3 =	vor.u32 $0x1, v1;
	_ =	sdelay $0x3  }
0x9f: {  	[tilespmem:v36+s13+$0x0] =	vst.idx.msk $0xffff, v2  }
0xa0: {  	v2 =	vld.idx.msk [tilespmem:v3+s9+$0x0], $0xffff  }
0xa1: {  	v3 =	vor.u32 $0x2, v1;
	_ =	sdelay $0x3  }
0xa2: {  	[tilespmem:v37+s13+$0x0] =	vst.idx.msk $0xffff, v2  }
0xa3: {  	v2 =	vld.idx.msk [tilespmem:v3+s9+$0x0], $0xffff  }
0xa4: {  	v1 =	vor.u32 $0x3, v1;
	_ =	sdelay $0x3  }
0xa5: {  	[tilespmem:v38+s13+$0x0] =	vst.idx.msk $0xffff, v2  }
0xa6: {  	v1 =	vld.idx.msk [tilespmem:v1+s9+$0x0], $0xffff;
	_ =	sdelay $0x4  }
0xa7: {  	[tilespmem:v39+s13+$0x0] =	vst.idx.msk $0xffff, v1  }
0xa8: {  	v1 =	vld [tilespmem:$0xA0];
	_ =	sdelay $0x4  }
0xa9: {  	v1 =	vshll.u32 v1, $0x2;
	_ =	sdelay $0x4  }
0xaa: {  	v2 =	vld.idx.msk [tilespmem:v1+s9+$0x0], $0xffff  }
0xab: {  	v3 =	vor.u32 $0x1, v1;
	_ =	sdelay $0x3  }
0xac: {  	[tilespmem:v40+s13+$0x0] =	vst.idx.msk $0xffff, v2  }
0xad: {  	v2 =	vld.idx.msk [tilespmem:v3+s9+$0x0], $0xffff  }
0xae: {  	v3 =	vor.u32 $0x2, v1;
	_ =	sdelay $0x3  }
0xaf: {  	[tilespmem:v41+s13+$0x0] =	vst.idx.msk $0xffff, v2  }
0xb0: {  	v2 =	vld.idx.msk [tilespmem:v3+s9+$0x0], $0xffff  }
0xb1: {  	v1 =	vor.u32 $0x3, v1;
	_ =	sdelay $0x3  }
0xb2: {  	[tilespmem:v42+s13+$0x0] =	vst.idx.msk $0xffff, v2  }
0xb3: {  	v1 =	vld.idx.msk [tilespmem:v1+s9+$0x0], $0xffff;
	_ =	sdelay $0x4  }
0xb4: {  	[tilespmem:v43+s13+$0x0] =	vst.idx.msk $0xffff, v1  }
0xb5: {  	v1 =	vld [tilespmem:$0xB0];
	_ =	sdelay $0x4  }
0xb6: {  	v1 =	vshll.u32 v1, $0x2;
	_ =	sdelay $0x4  }
0xb7: {  	v2 =	vld.idx.msk [tilespmem:v1+s9+$0x0], $0xffff  }
0xb8: {  	v3 =	vor.u32 $0x1, v1;
	_ =	sdelay $0x3  }
0xb9: {  	[tilespmem:v44+s13+$0x0] =	vst.idx.msk $0xffff, v2  }
0xba: {  	v2 =	vld.idx.msk [tilespmem:v3+s9+$0x0], $0xffff  }
0xbb: {  	v3 =	vor.u32 $0x2, v1;
	_ =	sdelay $0x3  }
0xbc: {  	[tilespmem:v45+s13+$0x0] =	vst.idx.msk $0xffff, v2  }
0xbd: {  	v2 =	vld.idx.msk [tilespmem:v3+s9+$0x0], $0xffff  }
0xbe: {  	v1 =	vor.u32 $0x3, v1;
	_ =	sdelay $0x3  }
0xbf: {  	[tilespmem:v46+s13+$0x0] =	vst.idx.msk $0xffff, v2  }
0xc0: {  	v1 =	vld.idx.msk [tilespmem:v1+s9+$0x0], $0xffff;
	_ =	sdelay $0x4  }
0xc1: {  	[tilespmem:v47+s13+$0x0] =	vst.idx.msk $0xffff, v1  }
0xc2: {  	v1 =	vld [tilespmem:$0xC0];
	_ =	sdelay $0x4  }
0xc3: {  	v1 =	vshll.u32 v1, $0x2;
	_ =	sdelay $0x4  }
0xc4: {  	v2 =	vld.idx.msk [tilespmem:v1+s9+$0x0], $0xffff  }
0xc5: {  	v3 =	vor.u32 $0x1, v1;
	_ =	sdelay $0x3  }
0xc6: {  	[tilespmem:v48+s13+$0x0] =	vst.idx.msk $0xffff, v2  }
0xc7: {  	v2 =	vld.idx.msk [tilespmem:v3+s9+$0x0], $0xffff  }
0xc8: {  	v3 =	vor.u32 $0x2, v1;
	_ =	sdelay $0x3  }
0xc9: {  	[tilespmem:v49+s13+$0x0] =	vst.idx.msk $0xffff, v2  }
0xca: {  	v2 =	vld.idx.msk [tilespmem:v3+s9+$0x0], $0xffff  }
0xcb: {  	v1 =	vor.u32 $0x3, v1;
	_ =	sdelay $0x3  }
0xcc: {  	[tilespmem:v50+s13+$0x0] =	vst.idx.msk $0xffff, v2  }
0xcd: {  	v1 =	vld.idx.msk [tilespmem:v1+s9+$0x0], $0xffff;
	_ =	sdelay $0x4  }
0xce: {  	[tilespmem:v51+s13+$0x0] =	vst.idx.msk $0xffff, v1  }
0xcf: {  	v1 =	vld [tilespmem:$0xD0];
	_ =	sdelay $0x4  }
0xd0: {  	v1 =	vshll.u32 v1, $0x2;
	_ =	sdelay $0x4  }
0xd1: {  	v2 =	vld.idx.msk [tilespmem:v1+s9+$0x0], $0xffff  }
0xd2: {  	v3 =	vor.u32 $0x1, v1;
	_ =	sdelay $0x3  }
0xd3: {  	[tilespmem:v52+s13+$0x0] =	vst.idx.msk $0xffff, v2  }
0xd4: {  	v2 =	vld.idx.msk [tilespmem:v3+s9+$0x0], $0xffff  }
0xd5: {  	v3 =	vor.u32 $0x2, v1;
	_ =	sdelay $0x3  }
0xd6: {  	[tilespmem:v53+s13+$0x0] =	vst.idx.msk $0xffff, v2  }
0xd7: {  	v2 =	vld.idx.msk [tilespmem:v3+s9+$0x0], $0xffff  }
0xd8: {  	v1 =	vor.u32 $0x3, v1;
	_ =	sdelay $0x3  }
0xd9: {  	[tilespmem:v54+s13+$0x0] =	vst.idx.msk $0xffff, v2  }
0xda: {  	v1 =	vld.idx.msk [tilespmem:v1+s9+$0x0], $0xffff;
	_ =	sdelay $0x4  }
0xdb: {  	[tilespmem:v55+s13+$0x0] =	vst.idx.msk $0xffff, v1  }
0xdc: {  	v1 =	vld [tilespmem:$0xE0];
	_ =	sdelay $0x4  }
0xdd: {  	v1 =	vshll.u32 v1, $0x2;
	_ =	sdelay $0x4  }
0xde: {  	v2 =	vld.idx.msk [tilespmem:v1+s9+$0x0], $0xffff  }
0xdf: {  	v3 =	vor.u32 $0x1, v1;
	_ =	sdelay $0x3  }
0xe0: {  	[tilespmem:v56+s13+$0x0] =	vst.idx.msk $0xffff, v2  }
0xe1: {  	v2 =	vld.idx.msk [tilespmem:v3+s9+$0x0], $0xffff  }
0xe2: {  	v3 =	vor.u32 $0x2, v1;
	_ =	sdelay $0x3  }
0xe3: {  	[tilespmem:v57+s13+$0x0] =	vst.idx.msk $0xffff, v2  }
0xe4: {  	v2 =	vld.idx.msk [tilespmem:v3+s9+$0x0], $0xffff  }
0xe5: {  	v1 =	vor.u32 $0x3, v1;
	_ =	sdelay $0x3  }
0xe6: {  	[tilespmem:v58+s13+$0x0] =	vst.idx.msk $0xffff, v2  }
0xe7: {  	v1 =	vld.idx.msk [tilespmem:v1+s9+$0x0], $0xffff;
	_ =	sdelay $0x4  }
0xe8: {  	[tilespmem:v59+s13+$0x0] =	vst.idx.msk $0xffff, v1  }
0xe9: {  	v1 =	vld [tilespmem:$0xF0];
	_ =	sdelay $0x4  }
0xea: {  	v1 =	vshll.u32 v1, $0x2;
	_ =	sdelay $0x4  }
0xeb: {  	v2 =	vld.idx.msk [tilespmem:v1+s9+$0x0], $0xffff  }
0xec: {  	v3 =	vor.u32 $0x1, v1;
	_ =	sdelay $0x3  }
0xed: {  	[tilespmem:v60+s13+$0x0] =	vst.idx.msk $0xffff, v2  }
0xee: {  	v2 =	vld.idx.msk [tilespmem:v3+s9+$0x0], $0xffff  }
0xef: {  	v3 =	vor.u32 $0x2, v1;
	_ =	sdelay $0x3  }
0xf0: {  	[tilespmem:v61+s13+$0x0] =	vst.idx.msk $0xffff, v2  }
0xf1: {  	v2 =	vld.idx.msk [tilespmem:v3+s9+$0x0], $0xffff  }
0xf2: {  	v1 =	vor.u32 $0x3, v1;
	_ =	sdelay $0x3  }
0xf3: {  	[tilespmem:v62+s13+$0x0] =	vst.idx.msk $0xffff, v2  }
0xf4: {  	v1 =	vld.idx.msk [tilespmem:v1+s9+$0x0], $0xffff;
	_ =	sdelay $0x4  }
0xf5: {  	[tilespmem:v63+s13+$0x0] =	vst.idx.msk $0xffff, v1  }
0xf6: {  	[hbm4b:s6+s3] =	stream.linear.scatter [tilespmem:s13], [sflag:$0x3], $0x400, $0x38;
	[tilespmem:$0xC00] =	vst v63  }
0xf7: {  	_ =	swait.ge [sflag:s11], $0x100  }
0xf8: {  	[sflag:s11] =	ssyncset.done $0x0  }
0xf9: {  	[sflag:s11] =	ssyncadd.s32 $0xFFFFFF00  }
0xfa: {  	v1 =	vld [tilespmem:$0x100];
	_ =	sdelay $0x4  }
0xfb: {  	v1 =	vshll.u32 v1, $0x2;
	_ =	sdelay $0x4  }
0xfc: {  	v3 =	vor.u32 $0x400, v0;
	v2 =	vld.idx.msk [tilespmem:v1+s9+$0x0], $0xffff  }
0xfd: {  	v4 =	vor.u32 $0x1, v1;
	_ =	sdelay $0x3  }
0xfe: {  	[tilespmem:v3+s13+$0x0] =	vst.idx.msk $0xffff, v2  }
0xff: {  	v3 =	vor.u32 $0x401, v0;
	v2 =	vld.idx.msk [tilespmem:v4+s9+$0x0], $0xffff  }
0x100: {  	v4 =	vor.u32 $0x2, v1;
	_ =	sdelay $0x3  }
0x101: {  	[tilespmem:v3+s13+$0x0] =	vst.idx.msk $0xffff, v2  }
0x102: {  	v3 =	vor.u32 $0x402, v0;
	v2 =	vld.idx.msk [tilespmem:v4+s9+$0x0], $0xffff  }
0x103: {  	v1 =	vor.u32 $0x3, v1;
	_ =	sdelay $0x3  }
0x104: {  	[tilespmem:v3+s13+$0x0] =	vst.idx.msk $0xffff, v2  }
0x105: {  	v2 =	vor.u32 $0x403, v0;
	v1 =	vld.idx.msk [tilespmem:v1+s9+$0x0], $0xffff;
	_ =	sdelay $0x4  }
0x106: {  	[tilespmem:v2+s13+$0x0] =	vst.idx.msk $0xffff, v1  }
0x107: {  	v1 =	vld [tilespmem:$0x110];
	_ =	sdelay $0x4  }
0x108: {  	v1 =	vshll.u32 v1, $0x2;
	_ =	sdelay $0x4  }
0x109: {  	v3 =	vor.u32 $0x440, v0;
	v2 =	vld.idx.msk [tilespmem:v1+s9+$0x0], $0xffff  }
0x10a: {  	v4 =	vor.u32 $0x1, v1;
	_ =	sdelay $0x3  }
0x10b: {  	[tilespmem:v3+s13+$0x0] =	vst.idx.msk $0xffff, v2  }
0x10c: {  	v3 =	vor.u32 $0x441, v0;
	v2 =	vld.idx.msk [tilespmem:v4+s9+$0x0], $0xffff  }
0x10d: {  	v4 =	vor.u32 $0x2, v1;
	_ =	sdelay $0x3  }
0x10e: {  	[tilespmem:v3+s13+$0x0] =	vst.idx.msk $0xffff, v2  }
0x10f: {  	v3 =	vor.u32 $0x442, v0;
	v2 =	vld.idx.msk [tilespmem:v4+s9+$0x0], $0xffff  }
0x110: {  	v1 =	vor.u32 $0x3, v1;
	_ =	sdelay $0x3  }
0x111: {  	[tilespmem:v3+s13+$0x0] =	vst.idx.msk $0xffff, v2  }
0x112: {  	v2 =	vor.u32 $0x443, v0;
	v1 =	vld.idx.msk [tilespmem:v1+s9+$0x0], $0xffff;
	_ =	sdelay $0x4  }
0x113: {  	[tilespmem:v2+s13+$0x0] =	vst.idx.msk $0xffff, v1  }
0x114: {  	v1 =	vld [tilespmem:$0x120];
	_ =	sdelay $0x4  }
0x115: {  	v1 =	vshll.u32 v1, $0x2;
	_ =	sdelay $0x4  }
0x116: {  	v3 =	vor.u32 $0x480, v0;
	v2 =	vld.idx.msk [tilespmem:v1+s9+$0x0], $0xffff  }
0x117: {  	v4 =	vor.u32 $0x1, v1;
	_ =	sdelay $0x3  }
0x118: {  	[tilespmem:v3+s13+$0x0] =	vst.idx.msk $0xffff, v2  }
0x119: {  	v3 =	vor.u32 $0x481, v0;
	v2 =	vld.idx.msk [tilespmem:v4+s9+$0x0], $0xffff  }
0x11a: {  	v4 =	vor.u32 $0x2, v1;
	_ =	sdelay $0x3  }
0x11b: {  	[tilespmem:v3+s13+$0x0] =	vst.idx.msk $0xffff, v2  }
0x11c: {  	v3 =	vor.u32 $0x482, v0;
	v2 =	vld.idx.msk [tilespmem:v4+s9+$0x0], $0xffff  }
0x11d: {  	v1 =	vor.u32 $0x3, v1;
	_ =	sdelay $0x3  }
0x11e: {  	[tilespmem:v3+s13+$0x0] =	vst.idx.msk $0xffff, v2  }
0x11f: {  	v2 =	vor.u32 $0x483, v0;
	v1 =	vld.idx.msk [tilespmem:v1+s9+$0x0], $0xffff;
	_ =	sdelay $0x4  }
0x120: {  	[tilespmem:v2+s13+$0x0] =	vst.idx.msk $0xffff, v1  }
0x121: {  	v1 =	vld [tilespmem:$0x130];
	_ =	sdelay $0x4  }
0x122: {  	v1 =	vshll.u32 v1, $0x2;
	_ =	sdelay $0x4  }
0x123: {  	v3 =	vor.u32 $0x4C0, v0;
	v2 =	vld.idx.msk [tilespmem:v1+s9+$0x0], $0xffff  }
0x124: {  	v4 =	vor.u32 $0x1, v1;
	_ =	sdelay $0x3  }
0x125: {  	[tilespmem:v3+s13+$0x0] =	vst.idx.msk $0xffff, v2  }
0x126: {  	v3 =	vor.u32 $0x4C1, v0;
	v2 =	vld.idx.msk [tilespmem:v4+s9+$0x0], $0xffff  }
0x127: {  	v4 =	vor.u32 $0x2, v1;
	_ =	sdelay $0x3  }
0x128: {  	[tilespmem:v3+s13+$0x0] =	vst.idx.msk $0xffff, v2  }
0x129: {  	v3 =	vor.u32 $0x4C2, v0;
	v2 =	vld.idx.msk [tilespmem:v4+s9+$0x0], $0xffff  }
0x12a: {  	v1 =	vor.u32 $0x3, v1;
	_ =	sdelay $0x3  }
0x12b: {  	[tilespmem:v3+s13+$0x0] =	vst.idx.msk $0xffff, v2  }
0x12c: {  	v2 =	vor.u32 $0x4C3, v0;
	v1 =	vld.idx.msk [tilespmem:v1+s9+$0x0], $0xffff;
	_ =	sdelay $0x4  }
0x12d: {  	[tilespmem:v2+s13+$0x0] =	vst.idx.msk $0xffff, v1  }
0x12e: {  	v1 =	vld [tilespmem:$0x140];
	_ =	sdelay $0x4  }
0x12f: {  	v1 =	vshll.u32 v1, $0x2;
	_ =	sdelay $0x4  }
0x130: {  	v3 =	vor.u32 $0x500, v0;
	v2 =	vld.idx.msk [tilespmem:v1+s9+$0x0], $0xffff  }
0x131: {  	v4 =	vor.u32 $0x1, v1;
	_ =	sdelay $0x3  }
0x132: {  	[tilespmem:v3+s13+$0x0] =	vst.idx.msk $0xffff, v2  }
0x133: {  	v3 =	vor.u32 $0x501, v0;
	v2 =	vld.idx.msk [tilespmem:v4+s9+$0x0], $0xffff  }
0x134: {  	v4 =	vor.u32 $0x2, v1;
	_ =	sdelay $0x3  }
0x135: {  	[tilespmem:v3+s13+$0x0] =	vst.idx.msk $0xffff, v2  }
0x136: {  	v3 =	vor.u32 $0x502, v0;
	v2 =	vld.idx.msk [tilespmem:v4+s9+$0x0], $0xffff  }
0x137: {  	v1 =	vor.u32 $0x3, v1;
	_ =	sdelay $0x3  }
0x138: {  	[tilespmem:v3+s13+$0x0] =	vst.idx.msk $0xffff, v2  }
0x139: {  	v2 =	vor.u32 $0x503, v0;
	v1 =	vld.idx.msk [tilespmem:v1+s9+$0x0], $0xffff;
	_ =	sdelay $0x4  }
0x13a: {  	[tilespmem:v2+s13+$0x0] =	vst.idx.msk $0xffff, v1  }
0x13b: {  	v1 =	vld [tilespmem:$0x150];
	_ =	sdelay $0x4  }
0x13c: {  	v1 =	vshll.u32 v1, $0x2;
	_ =	sdelay $0x4  }
0x13d: {  	v3 =	vor.u32 $0x540, v0;
	v2 =	vld.idx.msk [tilespmem:v1+s9+$0x0], $0xffff  }
0x13e: {  	v4 =	vor.u32 $0x1, v1;
	_ =	sdelay $0x3  }
0x13f: {  	[tilespmem:v3+s13+$0x0] =	vst.idx.msk $0xffff, v2  }
0x140: {  	v3 =	vor.u32 $0x541, v0;
	v2 =	vld.idx.msk [tilespmem:v4+s9+$0x0], $0xffff  }
0x141: {  	v4 =	vor.u32 $0x2, v1;
	_ =	sdelay $0x3  }
0x142: {  	[tilespmem:v3+s13+$0x0] =	vst.idx.msk $0xffff, v2  }
0x143: {  	v3 =	vor.u32 $0x542, v0;
	v2 =	vld.idx.msk [tilespmem:v4+s9+$0x0], $0xffff  }
0x144: {  	v1 =	vor.u32 $0x3, v1;
	_ =	sdelay $0x3  }
0x145: {  	[tilespmem:v3+s13+$0x0] =	vst.idx.msk $0xffff, v2  }
0x146: {  	v2 =	vor.u32 $0x543, v0;
	v1 =	vld.idx.msk [tilespmem:v1+s9+$0x0], $0xffff;
	_ =	sdelay $0x4  }
0x147: {  	[tilespmem:v2+s13+$0x0] =	vst.idx.msk $0xffff, v1  }
0x148: {  	v1 =	vld [tilespmem:$0x160];
	_ =	sdelay $0x4  }
0x149: {  	v1 =	vshll.u32 v1, $0x2;
	_ =	sdelay $0x4  }
0x14a: {  	v3 =	vor.u32 $0x580, v0;
	v2 =	vld.idx.msk [tilespmem:v1+s9+$0x0], $0xffff  }
0x14b: {  	v4 =	vor.u32 $0x1, v1;
	_ =	sdelay $0x3  }
0x14c: {  	[tilespmem:v3+s13+$0x0] =	vst.idx.msk $0xffff, v2  }
0x14d: {  	v3 =	vor.u32 $0x581, v0;
	v2 =	vld.idx.msk [tilespmem:v4+s9+$0x0], $0xffff  }
0x14e: {  	v4 =	vor.u32 $0x2, v1;
	_ =	sdelay $0x3  }
0x14f: {  	[tilespmem:v3+s13+$0x0] =	vst.idx.msk $0xffff, v2  }
0x150: {  	v3 =	vor.u32 $0x582, v0;
	v2 =	vld.idx.msk [tilespmem:v4+s9+$0x0], $0xffff  }
0x151: {  	v1 =	vor.u32 $0x3, v1;
	_ =	sdelay $0x3  }
0x152: {  	[tilespmem:v3+s13+$0x0] =	vst.idx.msk $0xffff, v2  }
0x153: {  	v2 =	vor.u32 $0x583, v0;
	v1 =	vld.idx.msk [tilespmem:v1+s9+$0x0], $0xffff;
	_ =	sdelay $0x4  }
0x154: {  	[tilespmem:v2+s13+$0x0] =	vst.idx.msk $0xffff, v1  }
0x155: {  	v1 =	vld [tilespmem:$0x170];
	_ =	sdelay $0x4  }
0x156: {  	v1 =	vshll.u32 v1, $0x2;
	_ =	sdelay $0x4  }
0x157: {  	v3 =	vor.u32 $0x5C0, v0;
	v2 =	vld.idx.msk [tilespmem:v1+s9+$0x0], $0xffff  }
0x158: {  	v4 =	vor.u32 $0x1, v1;
	_ =	sdelay $0x3  }
0x159: {  	[tilespmem:v3+s13+$0x0] =	vst.idx.msk $0xffff, v2  }
0x15a: {  	v3 =	vor.u32 $0x5C1, v0;
	v2 =	vld.idx.msk [tilespmem:v4+s9+$0x0], $0xffff  }
0x15b: {  	v4 =	vor.u32 $0x2, v1;
	_ =	sdelay $0x3  }
0x15c: {  	[tilespmem:v3+s13+$0x0] =	vst.idx.msk $0xffff, v2  }
0x15d: {  	v3 =	vor.u32 $0x5C2, v0;
	v2 =	vld.idx.msk [tilespmem:v4+s9+$0x0], $0xffff  }
0x15e: {  	v1 =	vor.u32 $0x3, v1;
	_ =	sdelay $0x3  }
0x15f: {  	[tilespmem:v3+s13+$0x0] =	vst.idx.msk $0xffff, v2  }
0x160: {  	v2 =	vor.u32 $0x5C3, v0;
	v1 =	vld.idx.msk [tilespmem:v1+s9+$0x0], $0xffff;
	_ =	sdelay $0x4  }
0x161: {  	[tilespmem:v2+s13+$0x0] =	vst.idx.msk $0xffff, v1  }
0x162: {  	v1 =	vld [tilespmem:$0x180];
	_ =	sdelay $0x4  }
0x163: {  	v1 =	vshll.u32 v1, $0x2;
	_ =	sdelay $0x4  }
0x164: {  	v3 =	vor.u32 $0x600, v0;
	v2 =	vld.idx.msk [tilespmem:v1+s9+$0x0], $0xffff  }
0x165: {  	v4 =	vor.u32 $0x1, v1;
	_ =	sdelay $0x3  }
0x166: {  	[tilespmem:v3+s13+$0x0] =	vst.idx.msk $0xffff, v2  }
0x167: {  	v3 =	vor.u32 $0x601, v0;
	v2 =	vld.idx.msk [tilespmem:v4+s9+$0x0], $0xffff  }
0x168: {  	v4 =	vor.u32 $0x2, v1;
	_ =	sdelay $0x3  }
0x169: {  	[tilespmem:v3+s13+$0x0] =	vst.idx.msk $0xffff, v2  }
0x16a: {  	v3 =	vor.u32 $0x602, v0;
	v2 =	vld.idx.msk [tilespmem:v4+s9+$0x0], $0xffff  }
0x16b: {  	v1 =	vor.u32 $0x3, v1;
	_ =	sdelay $0x3  }
0x16c: {  	[tilespmem:v3+s13+$0x0] =	vst.idx.msk $0xffff, v2  }
0x16d: {  	v2 =	vor.u32 $0x603, v0;
	v1 =	vld.idx.msk [tilespmem:v1+s9+$0x0], $0xffff;
	_ =	sdelay $0x4  }
0x16e: {  	[tilespmem:v2+s13+$0x0] =	vst.idx.msk $0xffff, v1  }
0x16f: {  	v1 =	vld [tilespmem:$0x190];
	_ =	sdelay $0x4  }
0x170: {  	v1 =	vshll.u32 v1, $0x2;
	_ =	sdelay $0x4  }
0x171: {  	v3 =	vor.u32 $0x640, v0;
	v2 =	vld.idx.msk [tilespmem:v1+s9+$0x0], $0xffff  }
0x172: {  	v4 =	vor.u32 $0x1, v1;
	_ =	sdelay $0x3  }
0x173: {  	[tilespmem:v3+s13+$0x0] =	vst.idx.msk $0xffff, v2  }
0x174: {  	v3 =	vor.u32 $0x641, v0;
	v2 =	vld.idx.msk [tilespmem:v4+s9+$0x0], $0xffff  }
0x175: {  	v4 =	vor.u32 $0x2, v1;
	_ =	sdelay $0x3  }
0x176: {  	[tilespmem:v3+s13+$0x0] =	vst.idx.msk $0xffff, v2  }
0x177: {  	v3 =	vor.u32 $0x642, v0;
	v2 =	vld.idx.msk [tilespmem:v4+s9+$0x0], $0xffff  }
0x178: {  	v1 =	vor.u32 $0x3, v1;
	_ =	sdelay $0x3  }
0x179: {  	[tilespmem:v3+s13+$0x0] =	vst.idx.msk $0xffff, v2  }
0x17a: {  	v2 =	vor.u32 $0x643, v0;
	v1 =	vld.idx.msk [tilespmem:v1+s9+$0x0], $0xffff;
	_ =	sdelay $0x4  }
0x17b: {  	[tilespmem:v2+s13+$0x0] =	vst.idx.msk $0xffff, v1  }
0x17c: {  	v1 =	vld [tilespmem:$0x1A0];
	_ =	sdelay $0x4  }
0x17d: {  	v1 =	vshll.u32 v1, $0x2;
	_ =	sdelay $0x4  }
0x17e: {  	v3 =	vor.u32 $0x680, v0;
	v2 =	vld.idx.msk [tilespmem:v1+s9+$0x0], $0xffff  }
0x17f: {  	v4 =	vor.u32 $0x1, v1;
	_ =	sdelay $0x3  }
0x180: {  	[tilespmem:v3+s13+$0x0] =	vst.idx.msk $0xffff, v2  }
0x181: {  	v3 =	vor.u32 $0x681, v0;
	v2 =	vld.idx.msk [tilespmem:v4+s9+$0x0], $0xffff  }
0x182: {  	v4 =	vor.u32 $0x2, v1;
	_ =	sdelay $0x3  }
0x183: {  	[tilespmem:v3+s13+$0x0] =	vst.idx.msk $0xffff, v2  }
0x184: {  	v3 =	vor.u32 $0x682, v0;
	v2 =	vld.idx.msk [tilespmem:v4+s9+$0x0], $0xffff  }
0x185: {  	v1 =	vor.u32 $0x3, v1;
	_ =	sdelay $0x3  }
0x186: {  	[tilespmem:v3+s13+$0x0] =	vst.idx.msk $0xffff, v2  }
0x187: {  	v2 =	vor.u32 $0x683, v0;
	v1 =	vld.idx.msk [tilespmem:v1+s9+$0x0], $0xffff;
	_ =	sdelay $0x4  }
0x188: {  	[tilespmem:v2+s13+$0x0] =	vst.idx.msk $0xffff, v1  }
0x189: {  	v1 =	vld [tilespmem:$0x1B0];
	_ =	sdelay $0x4  }
0x18a: {  	v1 =	vshll.u32 v1, $0x2;
	_ =	sdelay $0x4  }
0x18b: {  	v3 =	vor.u32 $0x6C0, v0;
	v2 =	vld.idx.msk [tilespmem:v1+s9+$0x0], $0xffff  }
0x18c: {  	v4 =	vor.u32 $0x1, v1;
	_ =	sdelay $0x3  }
0x18d: {  	[tilespmem:v3+s13+$0x0] =	vst.idx.msk $0xffff, v2  }
0x18e: {  	v3 =	vor.u32 $0x6C1, v0;
	v2 =	vld.idx.msk [tilespmem:v4+s9+$0x0], $0xffff  }
0x18f: {  	v4 =	vor.u32 $0x2, v1;
	_ =	sdelay $0x3  }
0x190: {  	[tilespmem:v3+s13+$0x0] =	vst.idx.msk $0xffff, v2  }
0x191: {  	v3 =	vor.u32 $0x6C2, v0;
	v2 =	vld.idx.msk [tilespmem:v4+s9+$0x0], $0xffff  }
0x192: {  	v1 =	vor.u32 $0x3, v1;
	_ =	sdelay $0x3  }
0x193: {  	[tilespmem:v3+s13+$0x0] =	vst.idx.msk $0xffff, v2  }
0x194: {  	v2 =	vor.u32 $0x6C3, v0;
	v1 =	vld.idx.msk [tilespmem:v1+s9+$0x0], $0xffff;
	_ =	sdelay $0x4  }
0x195: {  	[tilespmem:v2+s13+$0x0] =	vst.idx.msk $0xffff, v1  }
0x196: {  	v1 =	vld [tilespmem:$0x1C0];
	_ =	sdelay $0x4  }
0x197: {  	v1 =	vshll.u32 v1, $0x2;
	_ =	sdelay $0x4  }
0x198: {  	v3 =	vor.u32 $0x700, v0;
	v2 =	vld.idx.msk [tilespmem:v1+s9+$0x0], $0xffff  }
0x199: {  	v4 =	vor.u32 $0x1, v1;
	_ =	sdelay $0x3  }
0x19a: {  	[tilespmem:v3+s13+$0x0] =	vst.idx.msk $0xffff, v2  }
0x19b: {  	v3 =	vor.u32 $0x701, v0;
	v2 =	vld.idx.msk [tilespmem:v4+s9+$0x0], $0xffff  }
0x19c: {  	v4 =	vor.u32 $0x2, v1;
	_ =	sdelay $0x3  }
0x19d: {  	[tilespmem:v3+s13+$0x0] =	vst.idx.msk $0xffff, v2  }
0x19e: {  	v3 =	vor.u32 $0x702, v0;
	v2 =	vld.idx.msk [tilespmem:v4+s9+$0x0], $0xffff  }
0x19f: {  	v1 =	vor.u32 $0x3, v1;
	_ =	sdelay $0x3  }
0x1a0: {  	[tilespmem:v3+s13+$0x0] =	vst.idx.msk $0xffff, v2  }
0x1a1: {  	v2 =	vor.u32 $0x703, v0;
	v1 =	vld.idx.msk [tilespmem:v1+s9+$0x0], $0xffff;
	_ =	sdelay $0x4  }
0x1a2: {  	[tilespmem:v2+s13+$0x0] =	vst.idx.msk $0xffff, v1  }
0x1a3: {  	v1 =	vld [tilespmem:$0x1D0];
	_ =	sdelay $0x4  }
0x1a4: {  	v1 =	vshll.u32 v1, $0x2;
	_ =	sdelay $0x4  }
0x1a5: {  	v3 =	vor.u32 $0x740, v0;
	v2 =	vld.idx.msk [tilespmem:v1+s9+$0x0], $0xffff  }
0x1a6: {  	v4 =	vor.u32 $0x1, v1;
	_ =	sdelay $0x3  }
0x1a7: {  	[tilespmem:v3+s13+$0x0] =	vst.idx.msk $0xffff, v2  }
0x1a8: {  	v3 =	vor.u32 $0x741, v0;
	v2 =	vld.idx.msk [tilespmem:v4+s9+$0x0], $0xffff  }
0x1a9: {  	v4 =	vor.u32 $0x2, v1;
	_ =	sdelay $0x3  }
0x1aa: {  	[tilespmem:v3+s13+$0x0] =	vst.idx.msk $0xffff, v2  }
0x1ab: {  	v3 =	vor.u32 $0x742, v0;
	v2 =	vld.idx.msk [tilespmem:v4+s9+$0x0], $0xffff  }
0x1ac: {  	v1 =	vor.u32 $0x3, v1;
	_ =	sdelay $0x3  }
0x1ad: {  	[tilespmem:v3+s13+$0x0] =	vst.idx.msk $0xffff, v2  }
0x1ae: {  	v2 =	vor.u32 $0x743, v0;
	v1 =	vld.idx.msk [tilespmem:v1+s9+$0x0], $0xffff;
	_ =	sdelay $0x4  }
0x1af: {  	[tilespmem:v2+s13+$0x0] =	vst.idx.msk $0xffff, v1  }
0x1b0: {  	v1 =	vld [tilespmem:$0x1E0];
	_ =	sdelay $0x4  }
0x1b1: {  	v1 =	vshll.u32 v1, $0x2;
	_ =	sdelay $0x4  }
0x1b2: {  	v3 =	vor.u32 $0x780, v0;
	v2 =	vld.idx.msk [tilespmem:v1+s9+$0x0], $0xffff  }
0x1b3: {  	v4 =	vor.u32 $0x1, v1;
	_ =	sdelay $0x3  }
0x1b4: {  	[tilespmem:v3+s13+$0x0] =	vst.idx.msk $0xffff, v2  }
0x1b5: {  	v3 =	vor.u32 $0x781, v0;
	v2 =	vld.idx.msk [tilespmem:v4+s9+$0x0], $0xffff  }
0x1b6: {  	v4 =	vor.u32 $0x2, v1;
	_ =	sdelay $0x3  }
0x1b7: {  	[tilespmem:v3+s13+$0x0] =	vst.idx.msk $0xffff, v2  }
0x1b8: {  	v3 =	vor.u32 $0x782, v0;
	v2 =	vld.idx.msk [tilespmem:v4+s9+$0x0], $0xffff  }
0x1b9: {  	v1 =	vor.u32 $0x3, v1;
	_ =	sdelay $0x3  }
0x1ba: {  	[tilespmem:v3+s13+$0x0] =	vst.idx.msk $0xffff, v2  }
0x1bb: {  	v2 =	vor.u32 $0x783, v0;
	v1 =	vld.idx.msk [tilespmem:v1+s9+$0x0], $0xffff;
	_ =	sdelay $0x4  }
0x1bc: {  	[tilespmem:v2+s13+$0x0] =	vst.idx.msk $0xffff, v1  }
0x1bd: {  	v1 =	vld [tilespmem:$0x1F0];
	_ =	sdelay $0x4  }
0x1be: {  	v1 =	vshll.u32 v1, $0x2;
	_ =	sdelay $0x4  }
0x1bf: {  	v3 =	vor.u32 $0x7C0, v0;
	v2 =	vld.idx.msk [tilespmem:v1+s9+$0x0], $0xffff  }
0x1c0: {  	v4 =	vor.u32 $0x1, v1;
	_ =	sdelay $0x3  }
0x1c1: {  	[tilespmem:v3+s13+$0x0] =	vst.idx.msk $0xffff, v2  }
0x1c2: {  	v3 =	vor.u32 $0x7C1, v0;
	v2 =	vld.idx.msk [tilespmem:v4+s9+$0x0], $0xffff  }
0x1c3: {  	v4 =	vor.u32 $0x2, v1;
	_ =	sdelay $0x3  }
0x1c4: {  	[tilespmem:v3+s13+$0x0] =	vst.idx.msk $0xffff, v2  }
0x1c5: {  	v3 =	vor.u32 $0x7C2, v0;
	v2 =	vld.idx.msk [tilespmem:v4+s9+$0x0], $0xffff  }
0x1c6: {  	v1 =	vor.u32 $0x3, v1;
	_ =	sdelay $0x3  }
0x1c7: {  	[tilespmem:v3+s13+$0x0] =	vst.idx.msk $0xffff, v2  }
0x1c8: {  	v2 =	vor.u32 $0x7C3, v0;
	v1 =	vld.idx.msk [tilespmem:v1+s9+$0x0], $0xffff;
	_ =	sdelay $0x4  }
0x1c9: {  	[tilespmem:v2+s13+$0x0] =	vst.idx.msk $0xffff, v1  }
0x1ca: {  	[hbm4b:s7+s3] =	stream.linear.scatter [tilespmem:s14], [sflag:$0x3], $0x400, $0x38;
	[tilespmem:$0xC00] =	vst v63  }
0x1cb: {  	p0 =	sne.s32 s8, $0x1;
	_ =	swait.ge [sflag:s15], $0x400  }
.Ltmp0:
0x1cc: {  	[sflag:s15] =	ssyncset.done $0x0;
	(pc) =	sbr.rel @p0 .LBB2_1-.Ltmp0, $4  }
0x1cd: {  	[sflag:s15] =	ssyncadd.s32 $0xFFFFFC00  }
0x1ce: {  	_ =	swait.ge [sflag:s15], $0x400  }
0x1cf: {  	[sflag:s15] =	ssyncset.done $0x0  }
0x1d0: {  	s8 =	sadd.s32 $0xFFFFFFFF, s8;
	[sflag:s15] =	ssyncadd.s32 $0xFFFFFC00  }
0x1d1: {  	_ =	sfence.sel $0x180000  }
0x1d2: {  	[bflag:$0x0] =	sbarrier.arrive $0xFFFF  }
0x1d3: {  	p0 =	sne.s32 s2, $0x0;
	_ =	strace $0x90000047  }
0x1d4: {  	s0 =	sadd.s32 @!p0 $0x100000, s1;
	[bflag:$0x2] =	sbarrier.arrive $0xFFFF  }
0x1d5: {  	[sflag:s0] =	ssyncadd.tile.s32 @!p0 $0x1;
	_ =	shalt  }
.Lfunc_end2:
_tile_overlayer_lowered:
.L_overlay_start_2:
0x1d6: {  	(tag) =	ssettag $0x2  }
0x1d7: {  	s0 =	rddreg [dreg:$0x0];
	s2 =	stileid.u32  }
0x1d8: {  	s1 =	rddreg [dreg:$0x1];
	p0 =	sne.s32 s2, $0x0  }
0x1d9: {  	s3 =	rddreg [dreg:$0x2];
	[bflag:$0x3] =	sbarrier.arrive $0xFFFF;
	s2 =	simm.s32 @!p0 $0x1C04  }
0x1da: {  	[timem:s3], [sflag:s2] =	dma.local @!p0 [hbm:s0], s1  }
0x1db: {  	s0 =	simm.s32 @!p0 $0x4  }
0x1dc: {  	_ =	swait.ge @!p0 [sflag:s0], s1  }
0x1dd: {  	s1 =	ssub.s32 @!p0 $0x0, s1;
	[sflag:s0] =	ssyncset.done @!p0 $0x0  }
0x1de: {  	[sflag:s0] =	ssyncadd.s32 @!p0 s1  }
0x1df: {  	[bflag:$0x3] =	sbarrier.arrive $0xFFFF  }
0x1e0: {  	_ =	shalt  }

</sc_bundles>
